<compile_context>
chip_gen: v7x
topology: tpu7x:2x2x1
jax: 0.10.2.dev20260603
libtpu: 0.0.44.dev20260713+nightly
codegen_flags: <defaults>
</compile_context>

<pallas_src>
import functools

import jax
import jax.numpy as jnp
from jax import lax
from jax.experimental import pallas as pl
from jax.experimental.pallas import tpu as pltpu
from jax.experimental.pallas import tpu_sc as plsc

N = 16384
EPS = 1e-12
L = 16
NUM_CORES = 2
NUM_SUBCORES = 16
NUM_WORKERS = NUM_CORES * NUM_SUBCORES
BLOCK = 8192
VPB = BLOCK // L
UNROLL = 8


def _sc_partial_spmv(preds, vals, rows, cols, nnz, full):
    mesh = plsc.VectorSubcoreMesh(core_axis_name="c", subcore_axis_name="s")
    tstart = ((nnz - BLOCK) // 8) * 8
    tlen = nnz - tstart
    tvregs = -(-tlen // L)
    tbuf_len = tvregs * L
    tdelta = full * BLOCK - tstart

    @functools.partial(
        pl.kernel,
        out_type=jax.ShapeDtypeStruct((NUM_WORKERS, N), jnp.float32),
        mesh=mesh,
        compiler_params=pltpu.CompilerParams(needs_layout_passes=False,
                                             disable_bounds_checks=True),
        scratch_types=[
            pltpu.VMEM((N,), jnp.float32),
            pltpu.VMEM((N,), jnp.float32),
            pltpu.VMEM((BLOCK,), jnp.float32),
            pltpu.VMEM((BLOCK,), jnp.int32),
            pltpu.VMEM((BLOCK,), jnp.int32),
            pltpu.VMEM((BLOCK,), jnp.float32),
            pltpu.VMEM((BLOCK,), jnp.int32),
            pltpu.VMEM((BLOCK,), jnp.int32),
            pltpu.VMEM((tbuf_len,), jnp.float32),
            pltpu.VMEM((tbuf_len,), jnp.int32),
            pltpu.VMEM((tbuf_len,), jnp.int32),
            pltpu.SemaphoreType.DMA,
            pltpu.SemaphoreType.DMA,
            pltpu.SemaphoreType.DMA,
            pltpu.SemaphoreType.DMA,
        ],
    )
    def k(preds_hbm, vals_hbm, rows_hbm, cols_hbm, out_hbm,
          preds_v, ax_v, vals0, rows0, cols0, vals1, rows1, cols1,
          valst, rowst, colst, sem0, sem1, semt, psem):
        wid = lax.axis_index("s") * NUM_CORES + lax.axis_index("c")
        bufs = ((vals0, rows0, cols0, sem0), (vals1, rows1, cols1, sem1))
        is_tail_worker = wid == NUM_WORKERS - 1

        def start_block(bi, buf):
            vb, rb, cb, sem = buf
            base = jnp.minimum(bi, full - 1) * BLOCK
            pltpu.async_copy(vals_hbm.at[pl.ds(base, BLOCK)], vb, sem)
            pltpu.async_copy(rows_hbm.at[pl.ds(base, BLOCK)], rb, sem)
            pltpu.async_copy(cols_hbm.at[pl.ds(base, BLOCK)], cb, sem)

        def drain_block(buf):
            vb, rb, cb, sem = buf
            pltpu.make_async_copy(vals_hbm.at[pl.ds(0, BLOCK)], vb, sem).wait()
            pltpu.make_async_copy(rows_hbm.at[pl.ds(0, BLOCK)], rb, sem).wait()
            pltpu.make_async_copy(cols_hbm.at[pl.ds(0, BLOCK)], cb, sem).wait()

        lane = lax.iota(jnp.int32, L)
        shift_idx = jnp.minimum(lane + 1, L - 1)
        is_last = lane == (L - 1)
        not_last = lane < (L - 1)
        gdn = lax.GatherDimensionNumbers(
            offset_dims=(), collapsed_slice_dims=(0,), start_index_map=(0,))

        def process(buf):
            vb, rb, cb, _ = buf

            @plsc.parallel_loop(0, VPB, 1, unroll=UNROLL)
            def _(j):
                off = j * L
                v = vb[pl.ds(off, L)]
                r = rb[pl.ds(off, L)]
                c = cb[pl.ds(off, L)]
                p = plsc.load_gather(preds_v, [c])
                cs = plsc.cumsum(v * p)
                r_next = lax.gather(
                    r, shift_idx[:, None], gdn, slice_sizes=(1,),
                    mode=lax.GatherScatterMode.PROMISE_IN_BOUNDS)
                end = (r != r_next) | is_last
                plsc.addupdate_scatter(ax_v, [r], cs, mask=end)
                plsc.addupdate_scatter(ax_v, [r_next], -cs,
                                       mask=end & not_last)

        def process_tail():
            @plsc.parallel_loop(0, tvregs, 1, unroll=4)
            def _(j):
                off = j * L
                gidx = off + lane
                valid = (gidx >= tdelta) & (gidx < tlen)
                v = valst[pl.ds(off, L)]
                r = rowst[pl.ds(off, L)]
                c = colst[pl.ds(off, L)]
                cmask = jnp.where(valid, c, jnp.zeros((L,), jnp.int32))
                p = plsc.load_gather(preds_v, [cmask])
                cs = plsc.cumsum(
                    jnp.where(valid, v * p, jnp.zeros((L,), jnp.float32)))
                r_next = lax.gather(
                    r, shift_idx[:, None], gdn, slice_sizes=(1,),
                    mode=lax.GatherScatterMode.PROMISE_IN_BOUNDS)
                end = (r != r_next) | is_last | (gidx + 1 == tlen)
                plsc.addupdate_scatter(ax_v, [r], cs, mask=end & valid)
                plsc.addupdate_scatter(
                    ax_v, [r_next], -cs,
                    mask=end & not_last & valid & (gidx + 1 < tlen))

        nblocks = full + 1
        bi0 = wid * nblocks // NUM_WORKERS
        ub = (wid + 1) * nblocks // NUM_WORKERS
        nb_w = jnp.minimum(ub, full) - bi0
        start_block(bi0, bufs[0])

        @pl.when(is_tail_worker)
        def _():
            pltpu.async_copy(vals_hbm.at[pl.ds(tstart, tlen)],
                             valst.at[pl.ds(0, tlen)], semt)
            pltpu.async_copy(rows_hbm.at[pl.ds(tstart, tlen)],
                             rowst.at[pl.ds(0, tlen)], semt)
            pltpu.async_copy(cols_hbm.at[pl.ds(tstart, tlen)],
                             colst.at[pl.ds(0, tlen)], semt)

        pcopy = pltpu.async_copy(preds_hbm, preds_v, psem)

        @plsc.parallel_loop(0, N // L, 1, unroll=UNROLL)
        def _(i):
            ax_v[pl.ds(i * L, L)] = jnp.zeros((L,), jnp.float32)

        pcopy.wait()

        def body(b, carry):
            nxt = bi0 + b + 1

            @pl.when(b % 2 == 0)
            def _():
                start_block(nxt, bufs[1])
                drain_block(bufs[0])
                process(bufs[0])

            @pl.when(b % 2 == 1)
            def _():
                start_block(nxt, bufs[0])
                drain_block(bufs[1])
                process(bufs[1])

            return carry

        lax.fori_loop(0, nb_w, body, 0)

        @pl.when(nb_w % 2 == 0)
        def _():
            drain_block(bufs[0])

        @pl.when(nb_w % 2 == 1)
        def _():
            drain_block(bufs[1])

        @pl.when(is_tail_worker)
        def _():
            pltpu.make_async_copy(vals_hbm.at[pl.ds(0, tlen)],
                                  valst.at[pl.ds(0, tlen)], semt).wait()
            pltpu.make_async_copy(rows_hbm.at[pl.ds(0, tlen)],
                                  rowst.at[pl.ds(0, tlen)], semt).wait()
            pltpu.make_async_copy(cols_hbm.at[pl.ds(0, tlen)],
                                  colst.at[pl.ds(0, tlen)], semt).wait()
            process_tail()

        pltpu.sync_copy(ax_v, out_hbm.at[wid])

    return k(preds, vals, rows, cols)


def _finish(partials, target):

    def body(p_hbm, t_ref, o_ref, p_v, sem):
        pltpu.async_copy(p_hbm, p_v, sem).wait()
        ax = jnp.sum(p_v[...], axis=0)
        t = t_ref[...].reshape(N)
        res = t - ax
        ss_res = jnp.sum(res * res)
        ss_t = jnp.sum(t * t)
        val = jnp.sqrt(ss_res) / (jnp.sqrt(ss_t) + EPS)
        o_ref[...] = jnp.full((1, 1), val, jnp.float32)

    return pl.pallas_call(
        body,
        in_specs=[pl.BlockSpec(memory_space=pl.ANY),
                  pl.BlockSpec(memory_space=pltpu.VMEM)],
        out_specs=pl.BlockSpec(memory_space=pltpu.VMEM),
        out_shape=jax.ShapeDtypeStruct((1, 1), jnp.float32),
        scratch_shapes=[pltpu.VMEM((NUM_WORKERS, N), jnp.float32),
                        pltpu.SemaphoreType.DMA],
    )(partials, target)


def kernel(preds, target_b, matrix_vals, matrix_rows, matrix_cols, batch_map):
    nnz = matrix_vals.shape[0]
    full = nnz // BLOCK
    if nnz % BLOCK == 0:
        full -= 1
    partials = _sc_partial_spmv(preds, matrix_vals, matrix_rows, matrix_cols,
                                nnz, full)
    out = _finish(partials, target_b.reshape(128, 128))
    return out[0, 0]

# --- scband reference (transcript-rebuilt; emitter-appended) ---
"""Pipeline reference for scband-residual-loss-63780264345905 (READ-ONLY COPY).

The authoritative reference and input builder live on the scoring server;
editing this copy changes nothing except your own understanding.
"""

import jax, jax.numpy as jnp
import numpy as np

N = 16384
NNZ = 2684354
EPS = 1e-12


def setup_inputs(seed: int = 0) -> dict:
    key = jax.random.key(seed)
    k1, k2, k3, k4, k5, k6 = jax.random.split(key, 6)
    preds = jax.random.normal(k1, (N,), dtype=jnp.float32)
    target_b = jax.random.normal(k2, (N,), dtype=jnp.float32)
    matrix_vals = jax.random.normal(k3, (NNZ,), dtype=jnp.float32)
    matrix_rows = jnp.sort(jax.random.randint(k4, (NNZ,), 0, N, dtype=jnp.int32))
    matrix_cols = jax.random.randint(k5, (NNZ,), 0, N, dtype=jnp.int32)
    batch_map = jax.random.randint(k6, (N,), 0, 16, dtype=jnp.int32)
    return {
        "preds": preds,
        "target_b": target_b,
        "matrix_vals": matrix_vals,
        "matrix_rows": matrix_rows,
        "matrix_cols": matrix_cols,
        "batch_map": batch_map,
    }


def reference(preds, target_b, matrix_vals, matrix_rows, matrix_cols, batch_map):
    # Ax_pred = sparse.mm(matrix, preds) in COO form: gather + scatter-add
    contrib = matrix_vals * jnp.take(preds, matrix_cols, axis=0)
    Ax_pred = jax.ops.segment_sum(contrib, matrix_rows, num_segments=preds.shape[0], indices_are_sorted=True)
    residual = target_b - Ax_pred
    res_l2 = jnp.linalg.norm(residual, ord=2) / (jnp.linalg.norm(target_b, ord=2) + EPS)
    return jnp.mean(res_l2)

if __name__ == "__main__":
    import jax
    _d = setup_inputs()
    print(jax.jit(kernel)(*tuple(_d.values())))

</pallas_src>

<mosaic_0001>
#map = affine_map<(d0, d1) -> (0)>
#map1 = affine_map<(d0, d1) -> (0, 0)>
module attributes {stable_mosaic.version = 14 : i64} {
  func.func @k(%arg0: i32, %arg1: i32, %arg2: memref<16384xf32, #tpu.memory_space<hbm>>, %arg3: memref<2684354xf32, #tpu.memory_space<hbm>>, %arg4: memref<2684354xi32, #tpu.memory_space<hbm>>, %arg5: memref<2684354xi32, #tpu.memory_space<hbm>>, %arg6: memref<32x16384xf32, #tpu.memory_space<hbm>>, %arg7: memref<16384xf32, #tpu.memory_space<vmem>>, %arg8: memref<16384xf32, #tpu.memory_space<vmem>>, %arg9: memref<8192xf32, #tpu.memory_space<vmem>>, %arg10: memref<8192xi32, #tpu.memory_space<vmem>>, %arg11: memref<8192xi32, #tpu.memory_space<vmem>>, %arg12: memref<8192xf32, #tpu.memory_space<vmem>>, %arg13: memref<8192xi32, #tpu.memory_space<vmem>>, %arg14: memref<8192xi32, #tpu.memory_space<vmem>>, %arg15: memref<8208xf32, #tpu.memory_space<vmem>>, %arg16: memref<8208xi32, #tpu.memory_space<vmem>>, %arg17: memref<8208xi32, #tpu.memory_space<vmem>>, %arg18: memref<!tpu.dma_semaphore, #tpu.memory_space<semaphore_mem>>, %arg19: memref<!tpu.dma_semaphore, #tpu.memory_space<semaphore_mem>>, %arg20: memref<!tpu.dma_semaphore, #tpu.memory_space<semaphore_mem>>, %arg21: memref<!tpu.dma_semaphore, #tpu.memory_space<semaphore_mem>>) attributes {dimension_semantics = [#tpu.dimension_semantics<core_parallel>, #tpu.dimension_semantics<subcore_parallel>], iteration_bounds = array<i64: 2, 16>, scalar_prefetch = 0 : i64, scratch_operands = 15 : i64, tpu.core_type = #tpu.core_type<sc_vector_subcore>, window_params = [{transform_indices = #map}, {transform_indices = #map}, {transform_indices = #map}, {transform_indices = #map}, {transform_indices = #map1}]} {
    %mul3A = arith.constant 2 : i32
    %mul3A_0 = arith.muli %arg1, %mul3A : i32
    %add3A = arith.addi %mul3A_0, %arg0 : i32
    %eq3A = arith.constant 31 : i32
    %eq3A_1 = arith.cmpi eq, %add3A, %eq3A : i32
    %iota3A = tpu.iota {dimensions = array<i32: 0>} : vector<16xi32>
    %add3A_2 = arith.constant 1 : i32
    %add3A_3 = vector.broadcast %add3A_2 : i32 to vector<16xi32>
    %add3A_4 = arith.addi %iota3A, %add3A_3 : vector<16xi32>
    %min3A = arith.constant 15 : i32
    %min3A_5 = vector.broadcast %min3A : i32 to vector<16xi32>
    %min3A_6 = arith.minsi %add3A_4, %min3A_5 : vector<16xi32>
    %eq3A_7 = arith.constant 15 : i32
    %eq3A_8 = vector.broadcast %eq3A_7 : i32 to vector<16xi32>
    %eq3A_9 = arith.cmpi eq, %iota3A, %eq3A_8 : vector<16xi32>
    %lt3A = arith.constant 15 : i32
    %lt3A_10 = vector.broadcast %lt3A : i32 to vector<16xi32>
    %lt3A_11 = arith.cmpi slt, %iota3A, %lt3A_10 : vector<16xi32>
    %mul3A_12 = arith.constant 328 : i32
    %mul3A_13 = arith.muli %add3A, %mul3A_12 : i32
    %jit3A = arith.constant 32 : i32
    %div3A = arith.divsi %mul3A_13, %jit3A : i32
    %sign3A = arith.constant 0 : i32
    %sign3A_14 = arith.cmpi sgt, %mul3A_13, %sign3A : i32
    %sign3A_15 = arith.extui %sign3A_14 : i1 to i32
    %sign3A_16 = arith.constant 0 : i32
    %sign3A_17 = arith.cmpi slt, %mul3A_13, %sign3A_16 : i32
    %sign3A_18 = arith.extui %sign3A_17 : i1 to i32
    %sign3A_19 = arith.subi %sign3A_15, %sign3A_18 : i32
    %sign3A_20 = arith.constant 0 : i32
    %sign3A_21 = arith.cmpi sgt, %jit3A, %sign3A_20 : i32
    %sign3A_22 = arith.extui %sign3A_21 : i1 to i32
    %sign3A_23 = arith.constant 0 : i32
    %sign3A_24 = arith.cmpi slt, %jit3A, %sign3A_23 : i32
    %sign3A_25 = arith.extui %sign3A_24 : i1 to i32
    %sign3A_26 = arith.subi %sign3A_22, %sign3A_25 : i32
    %ne3A = arith.cmpi ne, %sign3A_19, %sign3A_26 : i32
    %rem3A = arith.remsi %mul3A_13, %jit3A : i32
    %ne3A_27 = arith.constant 0 : i32
    %ne3A_28 = arith.cmpi ne, %rem3A, %ne3A_27 : i32
    %and3A = arith.andi %ne3A, %ne3A_28 : i1
    %sub3A = arith.constant 1 : i32
    %sub3A_29 = arith.subi %div3A, %sub3A : i32
    %select_n3A = arith.select %and3A, %sub3A_29, %div3A : i32
    %add3A_30 = arith.constant 1 : i32
    %add3A_31 = arith.addi %add3A, %add3A_30 : i32
    %mul3A_32 = arith.constant 328 : i32
    %mul3A_33 = arith.muli %add3A_31, %mul3A_32 : i32
    %jit3A_34 = arith.constant 32 : i32
    %div3A_35 = arith.divsi %mul3A_33, %jit3A_34 : i32
    %sign3A_36 = arith.constant 0 : i32
    %sign3A_37 = arith.cmpi sgt, %mul3A_33, %sign3A_36 : i32
    %sign3A_38 = arith.extui %sign3A_37 : i1 to i32
    %sign3A_39 = arith.constant 0 : i32
    %sign3A_40 = arith.cmpi slt, %mul3A_33, %sign3A_39 : i32
    %sign3A_41 = arith.extui %sign3A_40 : i1 to i32
    %sign3A_42 = arith.subi %sign3A_38, %sign3A_41 : i32
    %sign3A_43 = arith.constant 0 : i32
    %sign3A_44 = arith.cmpi sgt, %jit3A_34, %sign3A_43 : i32
    %sign3A_45 = arith.extui %sign3A_44 : i1 to i32
    %sign3A_46 = arith.constant 0 : i32
    %sign3A_47 = arith.cmpi slt, %jit3A_34, %sign3A_46 : i32
    %sign3A_48 = arith.extui %sign3A_47 : i1 to i32
    %sign3A_49 = arith.subi %sign3A_45, %sign3A_48 : i32
    %ne3A_50 = arith.cmpi ne, %sign3A_42, %sign3A_49 : i32
    %rem3A_51 = arith.remsi %mul3A_33, %jit3A_34 : i32
    %ne3A_52 = arith.constant 0 : i32
    %ne3A_53 = arith.cmpi ne, %rem3A_51, %ne3A_52 : i32
    %and3A_54 = arith.andi %ne3A_50, %ne3A_53 : i1
    %sub3A_55 = arith.constant 1 : i32
    %sub3A_56 = arith.subi %div3A_35, %sub3A_55 : i32
    %select_n3A_57 = arith.select %and3A_54, %sub3A_56, %div3A_35 : i32
    %min3A_58 = arith.constant 327 : i32
    %min3A_59 = arith.minsi %select_n3A_57, %min3A_58 : i32
    %sub3A_60 = arith.subi %min3A_59, %select_n3A : i32
    %min3A_61 = arith.constant 326 : i32
    %min3A_62 = arith.minsi %select_n3A, %min3A_61 : i32
    %mul3A_63 = arith.constant 8192 : i32
    %mul3A_64 = arith.muli %min3A_62, %mul3A_63 : i32
    %dma_start3A = tpu.memref_slice %arg3[%mul3A_64] : memref<2684354xf32, #tpu.memory_space<hbm>> -> memref<8192xf32, #tpu.memory_space<hbm>>
    %dma_start3A_65 = tpu.memref_slice %arg3[%mul3A_64] : memref<2684354xf32, #tpu.memory_space<hbm>> -> memref<8192xf32, #tpu.memory_space<hbm>>
    tpu.enqueue_dma source(%dma_start3A_65 : memref<8192xf32, #tpu.memory_space<hbm>>) target(%arg9 : memref<8192xf32, #tpu.memory_space<vmem>>) target_semaphore(%arg18 : memref<!tpu.dma_semaphore, #tpu.memory_space<semaphore_mem>>)
    %dma_start3A_66 = tpu.memref_slice %arg4[%mul3A_64] : memref<2684354xi32, #tpu.memory_space<hbm>> -> memref<8192xi32, #tpu.memory_space<hbm>>
    %dma_start3A_67 = tpu.memref_slice %arg4[%mul3A_64] : memref<2684354xi32, #tpu.memory_space<hbm>> -> memref<8192xi32, #tpu.memory_space<hbm>>
    tpu.enqueue_dma source(%dma_start3A_67 : memref<8192xi32, #tpu.memory_space<hbm>>) target(%arg10 : memref<8192xi32, #tpu.memory_space<vmem>>) target_semaphore(%arg18 : memref<!tpu.dma_semaphore, #tpu.memory_space<semaphore_mem>>)
    %dma_start3A_68 = tpu.memref_slice %arg5[%mul3A_64] : memref<2684354xi32, #tpu.memory_space<hbm>> -> memref<8192xi32, #tpu.memory_space<hbm>>
    %dma_start3A_69 = tpu.memref_slice %arg5[%mul3A_64] : memref<2684354xi32, #tpu.memory_space<hbm>> -> memref<8192xi32, #tpu.memory_space<hbm>>
    tpu.enqueue_dma source(%dma_start3A_69 : memref<8192xi32, #tpu.memory_space<hbm>>) target(%arg11 : memref<8192xi32, #tpu.memory_space<vmem>>) target_semaphore(%arg18 : memref<!tpu.dma_semaphore, #tpu.memory_space<semaphore_mem>>)
    %convert_element_type3A = arith.extui %eq3A_1 : i1 to i32
    %cond3A = arith.constant 0 : i32
    %cond3A_70 = arith.cmpi ne, %convert_element_type3A, %cond3A : i32
    scf.if %cond3A_70 {
      %dma_start3A_127 = arith.constant 0 : i32
      %dma_start3A_128 = tpu.memref_slice %arg15[%dma_start3A_127] : memref<8208xf32, #tpu.memory_space<vmem>> -> memref<8194xf32, #tpu.memory_space<vmem>>
      %dma_start3A_129 = arith.constant 2676160 : i32
      %dma_start3A_130 = tpu.memref_slice %arg3[%dma_start3A_129] : memref<2684354xf32, #tpu.memory_space<hbm>> -> memref<8194xf32, #tpu.memory_space<hbm>>
      %dma_start3A_131 = arith.constant 0 : i32
      %dma_start3A_132 = tpu.memref_slice %arg15[%dma_start3A_131] : memref<8208xf32, #tpu.memory_space<vmem>> -> memref<8194xf32, #tpu.memory_space<vmem>>
      %dma_start3A_133 = arith.constant 2676160 : i32
      %dma_start3A_134 = tpu.memref_slice %arg3[%dma_start3A_133] : memref<2684354xf32, #tpu.memory_space<hbm>> -> memref<8194xf32, #tpu.memory_space<hbm>>
      tpu.enqueue_dma source(%dma_start3A_134 : memref<8194xf32, #tpu.memory_space<hbm>>) target(%dma_start3A_132 : memref<8194xf32, #tpu.memory_space<vmem>>) target_semaphore(%arg20 : memref<!tpu.dma_semaphore, #tpu.memory_space<semaphore_mem>>)
      %dma_start3A_135 = arith.constant 0 : i32
      %dma_start3A_136 = tpu.memref_slice %arg16[%dma_start3A_135] : memref<8208xi32, #tpu.memory_space<vmem>> -> memref<8194xi32, #tpu.memory_space<vmem>>
      %dma_start3A_137 = arith.constant 2676160 : i32
      %dma_start3A_138 = tpu.memref_slice %arg4[%dma_start3A_137] : memref<2684354xi32, #tpu.memory_space<hbm>> -> memref<8194xi32, #tpu.memory_space<hbm>>
      %dma_start3A_139 = arith.constant 0 : i32
      %dma_start3A_140 = tpu.memref_slice %arg16[%dma_start3A_139] : memref<8208xi32, #tpu.memory_space<vmem>> -> memref<8194xi32, #tpu.memory_space<vmem>>
      %dma_start3A_141 = arith.constant 2676160 : i32
      %dma_start3A_142 = tpu.memref_slice %arg4[%dma_start3A_141] : memref<2684354xi32, #tpu.memory_space<hbm>> -> memref<8194xi32, #tpu.memory_space<hbm>>
      tpu.enqueue_dma source(%dma_start3A_142 : memref<8194xi32, #tpu.memory_space<hbm>>) target(%dma_start3A_140 : memref<8194xi32, #tpu.memory_space<vmem>>) target_semaphore(%arg20 : memref<!tpu.dma_semaphore, #tpu.memory_space<semaphore_mem>>)
      %dma_start3A_143 = arith.constant 0 : i32
      %dma_start3A_144 = tpu.memref_slice %arg17[%dma_start3A_143] : memref<8208xi32, #tpu.memory_space<vmem>> -> memref<8194xi32, #tpu.memory_space<vmem>>
      %dma_start3A_145 = arith.constant 2676160 : i32
      %dma_start3A_146 = tpu.memref_slice %arg5[%dma_start3A_145] : memref<2684354xi32, #tpu.memory_space<hbm>> -> memref<8194xi32, #tpu.memory_space<hbm>>
      %dma_start3A_147 = arith.constant 0 : i32
      %dma_start3A_148 = tpu.memref_slice %arg17[%dma_start3A_147] : memref<8208xi32, #tpu.memory_space<vmem>> -> memref<8194xi32, #tpu.memory_space<vmem>>
      %dma_start3A_149 = arith.constant 2676160 : i32
      %dma_start3A_150 = tpu.memref_slice %arg5[%dma_start3A_149] : memref<2684354xi32, #tpu.memory_space<hbm>> -> memref<8194xi32, #tpu.memory_space<hbm>>
      tpu.enqueue_dma source(%dma_start3A_150 : memref<8194xi32, #tpu.memory_space<hbm>>) target(%dma_start3A_148 : memref<8194xi32, #tpu.memory_space<vmem>>) target_semaphore(%arg20 : memref<!tpu.dma_semaphore, #tpu.memory_space<semaphore_mem>>)
    } else {
    }
    tpu.enqueue_dma source(%arg2 : memref<16384xf32, #tpu.memory_space<hbm>>) target(%arg7 : memref<16384xf32, #tpu.memory_space<vmem>>) target_semaphore(%arg21 : memref<!tpu.dma_semaphore, #tpu.memory_space<semaphore_mem>>)
    %parallel_loop3A = arith.constant 0 : i32
    %parallel_loop3A_71 = arith.constant 1024 : i32
    %parallel_loop3A_72 = arith.constant 1 : i32
    scf.for %parallel_loop3A_127 = %parallel_loop3A to %parallel_loop3A_71 step %parallel_loop3A_72  : i32 {
      %parallel_loop3A_128 = arith.constant 0.000000e+00 : f32
      %parallel_loop3A_129 = vector.broadcast %parallel_loop3A_128 : f32 to vector<16xf32>
      %parallel_loop3A_130 = arith.constant 16 : i32
      %parallel_loop3A_131 = arith.muli %parallel_loop3A_127, %parallel_loop3A_130 : i32
      %parallel_loop3A_132 = arith.index_cast %parallel_loop3A_131 : i32 to index
      %parallel_loop3A_133 = tpu.vector_load %arg8[%parallel_loop3A_132] {strides = array<i32>} : memref<16384xf32, #tpu.memory_space<vmem>>, vector<16xf32>,
      tpu.vector_store %arg8[%parallel_loop3A_132], %parallel_loop3A_129 {strides = array<i32>} : memref<16384xf32, #tpu.memory_space<vmem>>, vector<16xf32>,
    } {sc.loop_unroll_factor = 8 : i64, sc.parallel_access}
    tpu.wait_dma2 semaphore(%arg21 : memref<!tpu.dma_semaphore, #tpu.memory_space<semaphore_mem>>) src(%arg2 : memref<16384xf32, #tpu.memory_space<hbm>>) dst(%arg7 : memref<16384xf32, #tpu.memory_space<vmem>>)
    %while3A = arith.constant 0 : i32
    %while3A_73 = arith.constant 0 : i32
    %while3A_74 = arith.subi %sub3A_60, %while3A_73 : i32
    %while3A_75 = arith.addi %while3A_73, %while3A_74 : i32
    %while3A_76 = arith.constant 1 : i32
    %while3A_77 = arith.divsi %while3A_74, %while3A_76 : i32
    %while3A_78 = arith.muli %while3A_77, %while3A_76 : i32
    %while3A_79 = arith.addi %while3A_73, %while3A_78 : i32
    %while3A_80 = arith.constant 1 : i32
    scf.for %while3A_127 = %while3A_73 to %while3A_79 step %while3A_80  : i32 {
      %add3A_128 = arith.addi %select_n3A, %while3A_127 : i32
      %add3A_129 = arith.constant 1 : i32
      %add3A_130 = arith.addi %add3A_128, %add3A_129 : i32
      %jit3A_131 = arith.constant 2 : i32
      %eq3A_132 = arith.constant 0 : i32
      %eq3A_133 = arith.cmpi eq, %jit3A_131, %eq3A_132 : i32
      %jit3A_134 = arith.constant 1 : i32
      %select_n3A_135 = arith.select %eq3A_133, %jit3A_134, %jit3A_131 : i32
      %rem3A_136 = arith.remsi %while3A_127, %select_n3A_135 : i32
      %ne3A_137 = arith.constant 0 : i32
      %ne3A_138 = arith.cmpi ne, %rem3A_136, %ne3A_137 : i32
      %lt3A_139 = arith.constant 0 : i32
      %lt3A_140 = arith.cmpi slt, %rem3A_136, %lt3A_139 : i32
      %lt3A_141 = arith.constant 0 : i32
      %lt3A_142 = arith.cmpi slt, %select_n3A_135, %lt3A_141 : i32
      %ne3A_143 = arith.xori %lt3A_140, %lt3A_142 : i1
      %and3A_144 = arith.andi %ne3A_143, %ne3A_138 : i1
      %add3A_145 = arith.addi %rem3A_136, %select_n3A_135 : i32
      %select_n3A_146 = arith.select %and3A_144, %add3A_145, %rem3A_136 : i32
      %eq3A_147 = arith.constant 0 : i32
      %eq3A_148 = arith.cmpi eq, %select_n3A_146, %eq3A_147 : i32
      %convert_element_type3A_149 = arith.extui %eq3A_148 : i1 to i32
      %cond3A_150 = arith.constant 0 : i32
      %cond3A_151 = arith.cmpi ne, %convert_element_type3A_149, %cond3A_150 : i32
      scf.if %cond3A_151 {
        %min3A_173 = arith.constant 326 : i32
        %min3A_174 = arith.minsi %add3A_130, %min3A_173 : i32
        %mul3A_175 = arith.constant 8192 : i32
        %mul3A_176 = arith.muli %min3A_174, %mul3A_175 : i32
        %dma_start3A_177 = tpu.memref_slice %arg3[%mul3A_176] : memref<2684354xf32, #tpu.memory_space<hbm>> -> memref<8192xf32, #tpu.memory_space<hbm>>
        %dma_start3A_178 = tpu.memref_slice %arg3[%mul3A_176] : memref<2684354xf32, #tpu.memory_space<hbm>> -> memref<8192xf32, #tpu.memory_space<hbm>>
        tpu.enqueue_dma source(%dma_start3A_178 : memref<8192xf32, #tpu.memory_space<hbm>>) target(%arg12 : memref<8192xf32, #tpu.memory_space<vmem>>) target_semaphore(%arg19 : memref<!tpu.dma_semaphore, #tpu.memory_space<semaphore_mem>>)
        %dma_start3A_179 = tpu.memref_slice %arg4[%mul3A_176] : memref<2684354xi32, #tpu.memory_space<hbm>> -> memref<8192xi32, #tpu.memory_space<hbm>>
        %dma_start3A_180 = tpu.memref_slice %arg4[%mul3A_176] : memref<2684354xi32, #tpu.memory_space<hbm>> -> memref<8192xi32, #tpu.memory_space<hbm>>
        tpu.enqueue_dma source(%dma_start3A_180 : memref<8192xi32, #tpu.memory_space<hbm>>) target(%arg13 : memref<8192xi32, #tpu.memory_space<vmem>>) target_semaphore(%arg19 : memref<!tpu.dma_semaphore, #tpu.memory_space<semaphore_mem>>)
        %dma_start3A_181 = tpu.memref_slice %arg5[%mul3A_176] : memref<2684354xi32, #tpu.memory_space<hbm>> -> memref<8192xi32, #tpu.memory_space<hbm>>
        %dma_start3A_182 = tpu.memref_slice %arg5[%mul3A_176] : memref<2684354xi32, #tpu.memory_space<hbm>> -> memref<8192xi32, #tpu.memory_space<hbm>>
        tpu.enqueue_dma source(%dma_start3A_182 : memref<8192xi32, #tpu.memory_space<hbm>>) target(%arg14 : memref<8192xi32, #tpu.memory_space<vmem>>) target_semaphore(%arg19 : memref<!tpu.dma_semaphore, #tpu.memory_space<semaphore_mem>>)
        %dma_wait3A = arith.constant 0 : i32
        %dma_wait3A_183 = tpu.memref_slice %arg3[%dma_wait3A] : memref<2684354xf32, #tpu.memory_space<hbm>> -> memref<8192xf32, #tpu.memory_space<hbm>>
        %dma_wait3A_184 = arith.constant 0 : i32
        %dma_wait3A_185 = tpu.memref_slice %arg3[%dma_wait3A_184] : memref<2684354xf32, #tpu.memory_space<hbm>> -> memref<8192xf32, #tpu.memory_space<hbm>>
        tpu.wait_dma2 semaphore(%arg18 : memref<!tpu.dma_semaphore, #tpu.memory_space<semaphore_mem>>) src(%dma_wait3A_185 : memref<8192xf32, #tpu.memory_space<hbm>>) dst(%arg9 : memref<8192xf32, #tpu.memory_space<vmem>>)
        %dma_wait3A_186 = arith.constant 0 : i32
        %dma_wait3A_187 = tpu.memref_slice %arg4[%dma_wait3A_186] : memref<2684354xi32, #tpu.memory_space<hbm>> -> memref<8192xi32, #tpu.memory_space<hbm>>
        %dma_wait3A_188 = arith.constant 0 : i32
        %dma_wait3A_189 = tpu.memref_slice %arg4[%dma_wait3A_188] : memref<2684354xi32, #tpu.memory_space<hbm>> -> memref<8192xi32, #tpu.memory_space<hbm>>
        tpu.wait_dma2 semaphore(%arg18 : memref<!tpu.dma_semaphore, #tpu.memory_space<semaphore_mem>>) src(%dma_wait3A_189 : memref<8192xi32, #tpu.memory_space<hbm>>) dst(%arg10 : memref<8192xi32, #tpu.memory_space<vmem>>)
        %dma_wait3A_190 = arith.constant 0 : i32
        %dma_wait3A_191 = tpu.memref_slice %arg5[%dma_wait3A_190] : memref<2684354xi32, #tpu.memory_space<hbm>> -> memref<8192xi32, #tpu.memory_space<hbm>>
        %dma_wait3A_192 = arith.constant 0 : i32
        %dma_wait3A_193 = tpu.memref_slice %arg5[%dma_wait3A_192] : memref<2684354xi32, #tpu.memory_space<hbm>> -> memref<8192xi32, #tpu.memory_space<hbm>>
        tpu.wait_dma2 semaphore(%arg18 : memref<!tpu.dma_semaphore, #tpu.memory_space<semaphore_mem>>) src(%dma_wait3A_193 : memref<8192xi32, #tpu.memory_space<hbm>>) dst(%arg11 : memref<8192xi32, #tpu.memory_space<vmem>>)
        %parallel_loop3A_194 = arith.constant 0 : i32
        %parallel_loop3A_195 = arith.constant 512 : i32
        %parallel_loop3A_196 = arith.constant 1 : i32
        scf.for %parallel_loop3A_197 = %parallel_loop3A_194 to %parallel_loop3A_195 step %parallel_loop3A_196  : i32 {
          %parallel_loop3A_198 = arith.constant 16 : i32
          %parallel_loop3A_199 = arith.muli %parallel_loop3A_197, %parallel_loop3A_198 : i32
          %parallel_loop3A_200 = arith.index_cast %parallel_loop3A_199 : i32 to index
          %parallel_loop3A_201 = tpu.vector_load %arg9[%parallel_loop3A_200] {strides = array<i32>} : memref<8192xf32, #tpu.memory_space<vmem>>, vector<16xf32>,
          %parallel_loop3A_202 = arith.index_cast %parallel_loop3A_199 : i32 to index
          %parallel_loop3A_203 = tpu.vector_load %arg10[%parallel_loop3A_202] {strides = array<i32>} : memref<8192xi32, #tpu.memory_space<vmem>>, vector<16xi32>,
          %parallel_loop3A_204 = arith.index_cast %parallel_loop3A_199 : i32 to index
          %parallel_loop3A_205 = tpu.vector_load %arg11[%parallel_loop3A_204] {strides = array<i32>} : memref<8192xi32, #tpu.memory_space<vmem>>, vector<16xi32>,
          %parallel_loop3A_206 = tpu.vector_load_idx %arg7[%parallel_loop3A_205] : memref<16384xf32, #tpu.memory_space<vmem>>[vector<16xi32>], vector<16xf32>,
          %parallel_loop3A_207 = arith.mulf %parallel_loop3A_201, %parallel_loop3A_206 : vector<16xf32>
          %parallel_loop3A_208 = arith.constant true
          %parallel_loop3A_209 = vector.broadcast %parallel_loop3A_208 : i1 to vector<16xi1>
          %parallel_loop3A_210 = tpu.scan <sum>, %parallel_loop3A_207 masked %parallel_loop3A_209 : vector<16xf32>, vector<16xi1> -> vector<16xf32>
          %parallel_loop3A_211 = vector.shape_cast %min3A_6 : vector<16xi32> to vector<16x1xi32>
          %parallel_loop3A_212 = vector.shape_cast %parallel_loop3A_211 : vector<16x1xi32> to vector<16xi32>
          %parallel_loop3A_213 = tpu.dynamic_gather %parallel_loop3A_203[%parallel_loop3A_212] in [0] : vector<16xi32>, vector<16xi32> -> vector<16xi32>
          %parallel_loop3A_214 = arith.cmpi ne, %parallel_loop3A_203, %parallel_loop3A_213 : vector<16xi32>
          %parallel_loop3A_215 = arith.ori %parallel_loop3A_214, %eq3A_9 : vector<16xi1>
          tpu.vector_store_idx %arg8[%parallel_loop3A_203], %parallel_loop3A_210 masked %parallel_loop3A_215 {add = true} : memref<16384xf32, #tpu.memory_space<vmem>>[vector<16xi32>], vector<16xf32>, vector<16xi1>
          %parallel_loop3A_216 = arith.constant 0.000000e+00 : f32
          %parallel_loop3A_217 = vector.broadcast %parallel_loop3A_216 : f32 to vector<16xf32>
          %parallel_loop3A_218 = arith.subf %parallel_loop3A_217, %parallel_loop3A_210 : vector<16xf32>
          %parallel_loop3A_219 = arith.andi %parallel_loop3A_215, %lt3A_11 : vector<16xi1>
          tpu.vector_store_idx %arg8[%parallel_loop3A_213], %parallel_loop3A_218 masked %parallel_loop3A_219 {add = true} : memref<16384xf32, #tpu.memory_space<vmem>>[vector<16xi32>], vector<16xf32>, vector<16xi1>
        } {sc.loop_unroll_factor = 8 : i64, sc.parallel_access}
      } else {
      }
      %jit3A_152 = arith.constant 2 : i32
      %eq3A_153 = arith.constant 0 : i32
      %eq3A_154 = arith.cmpi eq, %jit3A_152, %eq3A_153 : i32
      %jit3A_155 = arith.constant 1 : i32
      %select_n3A_156 = arith.select %eq3A_154, %jit3A_155, %jit3A_152 : i32
      %rem3A_157 = arith.remsi %while3A_127, %select_n3A_156 : i32
      %ne3A_158 = arith.constant 0 : i32
      %ne3A_159 = arith.cmpi ne, %rem3A_157, %ne3A_158 : i32
      %lt3A_160 = arith.constant 0 : i32
      %lt3A_161 = arith.cmpi slt, %rem3A_157, %lt3A_160 : i32
      %lt3A_162 = arith.constant 0 : i32
      %lt3A_163 = arith.cmpi slt, %select_n3A_156, %lt3A_162 : i32
      %ne3A_164 = arith.xori %lt3A_161, %lt3A_163 : i1
      %and3A_165 = arith.andi %ne3A_164, %ne3A_159 : i1
      %add3A_166 = arith.addi %rem3A_157, %select_n3A_156 : i32
      %select_n3A_167 = arith.select %and3A_165, %add3A_166, %rem3A_157 : i32
      %eq3A_168 = arith.constant 1 : i32
      %eq3A_169 = arith.cmpi eq, %select_n3A_167, %eq3A_168 : i32
      %convert_element_type3A_170 = arith.extui %eq3A_169 : i1 to i32
      %cond3A_171 = arith.constant 0 : i32
      %cond3A_172 = arith.cmpi ne, %convert_element_type3A_170, %cond3A_171 : i32
      scf.if %cond3A_172 {
        %min3A_173 = arith.constant 326 : i32
        %min3A_174 = arith.minsi %add3A_130, %min3A_173 : i32
        %mul3A_175 = arith.constant 8192 : i32
        %mul3A_176 = arith.muli %min3A_174, %mul3A_175 : i32
        %dma_start3A_177 = tpu.memref_slice %arg3[%mul3A_176] : memref<2684354xf32, #tpu.memory_space<hbm>> -> memref<8192xf32, #tpu.memory_space<hbm>>
        %dma_start3A_178 = tpu.memref_slice %arg3[%mul3A_176] : memref<2684354xf32, #tpu.memory_space<hbm>> -> memref<8192xf32, #tpu.memory_space<hbm>>
        tpu.enqueue_dma source(%dma_start3A_178 : memref<8192xf32, #tpu.memory_space<hbm>>) target(%arg9 : memref<8192xf32, #tpu.memory_space<vmem>>) target_semaphore(%arg18 : memref<!tpu.dma_semaphore, #tpu.memory_space<semaphore_mem>>)
        %dma_start3A_179 = tpu.memref_slice %arg4[%mul3A_176] : memref<2684354xi32, #tpu.memory_space<hbm>> -> memref<8192xi32, #tpu.memory_space<hbm>>
        %dma_start3A_180 = tpu.memref_slice %arg4[%mul3A_176] : memref<2684354xi32, #tpu.memory_space<hbm>> -> memref<8192xi32, #tpu.memory_space<hbm>>
        tpu.enqueue_dma source(%dma_start3A_180 : memref<8192xi32, #tpu.memory_space<hbm>>) target(%arg10 : memref<8192xi32, #tpu.memory_space<vmem>>) target_semaphore(%arg18 : memref<!tpu.dma_semaphore, #tpu.memory_space<semaphore_mem>>)
        %dma_start3A_181 = tpu.memref_slice %arg5[%mul3A_176] : memref<2684354xi32, #tpu.memory_space<hbm>> -> memref<8192xi32, #tpu.memory_space<hbm>>
        %dma_start3A_182 = tpu.memref_slice %arg5[%mul3A_176] : memref<2684354xi32, #tpu.memory_space<hbm>> -> memref<8192xi32, #tpu.memory_space<hbm>>
        tpu.enqueue_dma source(%dma_start3A_182 : memref<8192xi32, #tpu.memory_space<hbm>>) target(%arg11 : memref<8192xi32, #tpu.memory_space<vmem>>) target_semaphore(%arg18 : memref<!tpu.dma_semaphore, #tpu.memory_space<semaphore_mem>>)
        %dma_wait3A = arith.constant 0 : i32
        %dma_wait3A_183 = tpu.memref_slice %arg3[%dma_wait3A] : memref<2684354xf32, #tpu.memory_space<hbm>> -> memref<8192xf32, #tpu.memory_space<hbm>>
        %dma_wait3A_184 = arith.constant 0 : i32
        %dma_wait3A_185 = tpu.memref_slice %arg3[%dma_wait3A_184] : memref<2684354xf32, #tpu.memory_space<hbm>> -> memref<8192xf32, #tpu.memory_space<hbm>>
        tpu.wait_dma2 semaphore(%arg19 : memref<!tpu.dma_semaphore, #tpu.memory_space<semaphore_mem>>) src(%dma_wait3A_185 : memref<8192xf32, #tpu.memory_space<hbm>>) dst(%arg12 : memref<8192xf32, #tpu.memory_space<vmem>>)
        %dma_wait3A_186 = arith.constant 0 : i32
        %dma_wait3A_187 = tpu.memref_slice %arg4[%dma_wait3A_186] : memref<2684354xi32, #tpu.memory_space<hbm>> -> memref<8192xi32, #tpu.memory_space<hbm>>
        %dma_wait3A_188 = arith.constant 0 : i32
        %dma_wait3A_189 = tpu.memref_slice %arg4[%dma_wait3A_188] : memref<2684354xi32, #tpu.memory_space<hbm>> -> memref<8192xi32, #tpu.memory_space<hbm>>
        tpu.wait_dma2 semaphore(%arg19 : memref<!tpu.dma_semaphore, #tpu.memory_space<semaphore_mem>>) src(%dma_wait3A_189 : memref<8192xi32, #tpu.memory_space<hbm>>) dst(%arg13 : memref<8192xi32, #tpu.memory_space<vmem>>)
        %dma_wait3A_190 = arith.constant 0 : i32
        %dma_wait3A_191 = tpu.memref_slice %arg5[%dma_wait3A_190] : memref<2684354xi32, #tpu.memory_space<hbm>> -> memref<8192xi32, #tpu.memory_space<hbm>>
        %dma_wait3A_192 = arith.constant 0 : i32
        %dma_wait3A_193 = tpu.memref_slice %arg5[%dma_wait3A_192] : memref<2684354xi32, #tpu.memory_space<hbm>> -> memref<8192xi32, #tpu.memory_space<hbm>>
        tpu.wait_dma2 semaphore(%arg19 : memref<!tpu.dma_semaphore, #tpu.memory_space<semaphore_mem>>) src(%dma_wait3A_193 : memref<8192xi32, #tpu.memory_space<hbm>>) dst(%arg14 : memref<8192xi32, #tpu.memory_space<vmem>>)
        %parallel_loop3A_194 = arith.constant 0 : i32
        %parallel_loop3A_195 = arith.constant 512 : i32
        %parallel_loop3A_196 = arith.constant 1 : i32
        scf.for %parallel_loop3A_197 = %parallel_loop3A_194 to %parallel_loop3A_195 step %parallel_loop3A_196  : i32 {
          %parallel_loop3A_198 = arith.constant 16 : i32
          %parallel_loop3A_199 = arith.muli %parallel_loop3A_197, %parallel_loop3A_198 : i32
          %parallel_loop3A_200 = arith.index_cast %parallel_loop3A_199 : i32 to index
          %parallel_loop3A_201 = tpu.vector_load %arg12[%parallel_loop3A_200] {strides = array<i32>} : memref<8192xf32, #tpu.memory_space<vmem>>, vector<16xf32>,
          %parallel_loop3A_202 = arith.index_cast %parallel_loop3A_199 : i32 to index
          %parallel_loop3A_203 = tpu.vector_load %arg13[%parallel_loop3A_202] {strides = array<i32>} : memref<8192xi32, #tpu.memory_space<vmem>>, vector<16xi32>,
          %parallel_loop3A_204 = arith.index_cast %parallel_loop3A_199 : i32 to index
          %parallel_loop3A_205 = tpu.vector_load %arg14[%parallel_loop3A_204] {strides = array<i32>} : memref<8192xi32, #tpu.memory_space<vmem>>, vector<16xi32>,
          %parallel_loop3A_206 = tpu.vector_load_idx %arg7[%parallel_loop3A_205] : memref<16384xf32, #tpu.memory_space<vmem>>[vector<16xi32>], vector<16xf32>,
          %parallel_loop3A_207 = arith.mulf %parallel_loop3A_201, %parallel_loop3A_206 : vector<16xf32>
          %parallel_loop3A_208 = arith.constant true
          %parallel_loop3A_209 = vector.broadcast %parallel_loop3A_208 : i1 to vector<16xi1>
          %parallel_loop3A_210 = tpu.scan <sum>, %parallel_loop3A_207 masked %parallel_loop3A_209 : vector<16xf32>, vector<16xi1> -> vector<16xf32>
          %parallel_loop3A_211 = vector.shape_cast %min3A_6 : vector<16xi32> to vector<16x1xi32>
          %parallel_loop3A_212 = vector.shape_cast %parallel_loop3A_211 : vector<16x1xi32> to vector<16xi32>
          %parallel_loop3A_213 = tpu.dynamic_gather %parallel_loop3A_203[%parallel_loop3A_212] in [0] : vector<16xi32>, vector<16xi32> -> vector<16xi32>
          %parallel_loop3A_214 = arith.cmpi ne, %parallel_loop3A_203, %parallel_loop3A_213 : vector<16xi32>
          %parallel_loop3A_215 = arith.ori %parallel_loop3A_214, %eq3A_9 : vector<16xi1>
          tpu.vector_store_idx %arg8[%parallel_loop3A_203], %parallel_loop3A_210 masked %parallel_loop3A_215 {add = true} : memref<16384xf32, #tpu.memory_space<vmem>>[vector<16xi32>], vector<16xf32>, vector<16xi1>
          %parallel_loop3A_216 = arith.constant 0.000000e+00 : f32
          %parallel_loop3A_217 = vector.broadcast %parallel_loop3A_216 : f32 to vector<16xf32>
          %parallel_loop3A_218 = arith.subf %parallel_loop3A_217, %parallel_loop3A_210 : vector<16xf32>
          %parallel_loop3A_219 = arith.andi %parallel_loop3A_215, %lt3A_11 : vector<16xi1>
          tpu.vector_store_idx %arg8[%parallel_loop3A_213], %parallel_loop3A_218 masked %parallel_loop3A_219 {add = true} : memref<16384xf32, #tpu.memory_space<vmem>>[vector<16xi32>], vector<16xf32>, vector<16xi1>
        } {sc.loop_unroll_factor = 8 : i64, sc.parallel_access}
      } else {
      }
    }
    %while3A_81 = arith.constant 1 : i32
    scf.for %while3A_127 = %while3A_79 to %while3A_75 step %while3A_81  : i32 {
      %add3A_128 = arith.addi %select_n3A, %while3A_127 : i32
      %add3A_129 = arith.constant 1 : i32
      %add3A_130 = arith.addi %add3A_128, %add3A_129 : i32
      %jit3A_131 = arith.constant 2 : i32
      %eq3A_132 = arith.constant 0 : i32
      %eq3A_133 = arith.cmpi eq, %jit3A_131, %eq3A_132 : i32
      %jit3A_134 = arith.constant 1 : i32
      %select_n3A_135 = arith.select %eq3A_133, %jit3A_134, %jit3A_131 : i32
      %rem3A_136 = arith.remsi %while3A_127, %select_n3A_135 : i32
      %ne3A_137 = arith.constant 0 : i32
      %ne3A_138 = arith.cmpi ne, %rem3A_136, %ne3A_137 : i32
      %lt3A_139 = arith.constant 0 : i32
      %lt3A_140 = arith.cmpi slt, %rem3A_136, %lt3A_139 : i32
      %lt3A_141 = arith.constant 0 : i32
      %lt3A_142 = arith.cmpi slt, %select_n3A_135, %lt3A_141 : i32
      %ne3A_143 = arith.xori %lt3A_140, %lt3A_142 : i1
      %and3A_144 = arith.andi %ne3A_143, %ne3A_138 : i1
      %add3A_145 = arith.addi %rem3A_136, %select_n3A_135 : i32
      %select_n3A_146 = arith.select %and3A_144, %add3A_145, %rem3A_136 : i32
      %eq3A_147 = arith.constant 0 : i32
      %eq3A_148 = arith.cmpi eq, %select_n3A_146, %eq3A_147 : i32
      %convert_element_type3A_149 = arith.extui %eq3A_148 : i1 to i32
      %cond3A_150 = arith.constant 0 : i32
      %cond3A_151 = arith.cmpi ne, %convert_element_type3A_149, %cond3A_150 : i32
      scf.if %cond3A_151 {
        %min3A_173 = arith.constant 326 : i32
        %min3A_174 = arith.minsi %add3A_130, %min3A_173 : i32
        %mul3A_175 = arith.constant 8192 : i32
        %mul3A_176 = arith.muli %min3A_174, %mul3A_175 : i32
        %dma_start3A_177 = tpu.memref_slice %arg3[%mul3A_176] : memref<2684354xf32, #tpu.memory_space<hbm>> -> memref<8192xf32, #tpu.memory_space<hbm>>
        %dma_start3A_178 = tpu.memref_slice %arg3[%mul3A_176] : memref<2684354xf32, #tpu.memory_space<hbm>> -> memref<8192xf32, #tpu.memory_space<hbm>>
        tpu.enqueue_dma source(%dma_start3A_178 : memref<8192xf32, #tpu.memory_space<hbm>>) target(%arg12 : memref<8192xf32, #tpu.memory_space<vmem>>) target_semaphore(%arg19 : memref<!tpu.dma_semaphore, #tpu.memory_space<semaphore_mem>>)
        %dma_start3A_179 = tpu.memref_slice %arg4[%mul3A_176] : memref<2684354xi32, #tpu.memory_space<hbm>> -> memref<8192xi32, #tpu.memory_space<hbm>>
        %dma_start3A_180 = tpu.memref_slice %arg4[%mul3A_176] : memref<2684354xi32, #tpu.memory_space<hbm>> -> memref<8192xi32, #tpu.memory_space<hbm>>
        tpu.enqueue_dma source(%dma_start3A_180 : memref<8192xi32, #tpu.memory_space<hbm>>) target(%arg13 : memref<8192xi32, #tpu.memory_space<vmem>>) target_semaphore(%arg19 : memref<!tpu.dma_semaphore, #tpu.memory_space<semaphore_mem>>)
        %dma_start3A_181 = tpu.memref_slice %arg5[%mul3A_176] : memref<2684354xi32, #tpu.memory_space<hbm>> -> memref<8192xi32, #tpu.memory_space<hbm>>
        %dma_start3A_182 = tpu.memref_slice %arg5[%mul3A_176] : memref<2684354xi32, #tpu.memory_space<hbm>> -> memref<8192xi32, #tpu.memory_space<hbm>>
        tpu.enqueue_dma source(%dma_start3A_182 : memref<8192xi32, #tpu.memory_space<hbm>>) target(%arg14 : memref<8192xi32, #tpu.memory_space<vmem>>) target_semaphore(%arg19 : memref<!tpu.dma_semaphore, #tpu.memory_space<semaphore_mem>>)
        %dma_wait3A = arith.constant 0 : i32
        %dma_wait3A_183 = tpu.memref_slice %arg3[%dma_wait3A] : memref<2684354xf32, #tpu.memory_space<hbm>> -> memref<8192xf32, #tpu.memory_space<hbm>>
        %dma_wait3A_184 = arith.constant 0 : i32
        %dma_wait3A_185 = tpu.memref_slice %arg3[%dma_wait3A_184] : memref<2684354xf32, #tpu.memory_space<hbm>> -> memref<8192xf32, #tpu.memory_space<hbm>>
        tpu.wait_dma2 semaphore(%arg18 : memref<!tpu.dma_semaphore, #tpu.memory_space<semaphore_mem>>) src(%dma_wait3A_185 : memref<8192xf32, #tpu.memory_space<hbm>>) dst(%arg9 : memref<8192xf32, #tpu.memory_space<vmem>>)
        %dma_wait3A_186 = arith.constant 0 : i32
        %dma_wait3A_187 = tpu.memref_slice %arg4[%dma_wait3A_186] : memref<2684354xi32, #tpu.memory_space<hbm>> -> memref<8192xi32, #tpu.memory_space<hbm>>
        %dma_wait3A_188 = arith.constant 0 : i32
        %dma_wait3A_189 = tpu.memref_slice %arg4[%dma_wait3A_188] : memref<2684354xi32, #tpu.memory_space<hbm>> -> memref<8192xi32, #tpu.memory_space<hbm>>
        tpu.wait_dma2 semaphore(%arg18 : memref<!tpu.dma_semaphore, #tpu.memory_space<semaphore_mem>>) src(%dma_wait3A_189 : memref<8192xi32, #tpu.memory_space<hbm>>) dst(%arg10 : memref<8192xi32, #tpu.memory_space<vmem>>)
        %dma_wait3A_190 = arith.constant 0 : i32
        %dma_wait3A_191 = tpu.memref_slice %arg5[%dma_wait3A_190] : memref<2684354xi32, #tpu.memory_space<hbm>> -> memref<8192xi32, #tpu.memory_space<hbm>>
        %dma_wait3A_192 = arith.constant 0 : i32
        %dma_wait3A_193 = tpu.memref_slice %arg5[%dma_wait3A_192] : memref<2684354xi32, #tpu.memory_space<hbm>> -> memref<8192xi32, #tpu.memory_space<hbm>>
        tpu.wait_dma2 semaphore(%arg18 : memref<!tpu.dma_semaphore, #tpu.memory_space<semaphore_mem>>) src(%dma_wait3A_193 : memref<8192xi32, #tpu.memory_space<hbm>>) dst(%arg11 : memref<8192xi32, #tpu.memory_space<vmem>>)
        %parallel_loop3A_194 = arith.constant 0 : i32
        %parallel_loop3A_195 = arith.constant 512 : i32
        %parallel_loop3A_196 = arith.constant 1 : i32
        scf.for %parallel_loop3A_197 = %parallel_loop3A_194 to %parallel_loop3A_195 step %parallel_loop3A_196  : i32 {
          %parallel_loop3A_198 = arith.constant 16 : i32
          %parallel_loop3A_199 = arith.muli %parallel_loop3A_197, %parallel_loop3A_198 : i32
          %parallel_loop3A_200 = arith.index_cast %parallel_loop3A_199 : i32 to index
          %parallel_loop3A_201 = tpu.vector_load %arg9[%parallel_loop3A_200] {strides = array<i32>} : memref<8192xf32, #tpu.memory_space<vmem>>, vector<16xf32>,
          %parallel_loop3A_202 = arith.index_cast %parallel_loop3A_199 : i32 to index
          %parallel_loop3A_203 = tpu.vector_load %arg10[%parallel_loop3A_202] {strides = array<i32>} : memref<8192xi32, #tpu.memory_space<vmem>>, vector<16xi32>,
          %parallel_loop3A_204 = arith.index_cast %parallel_loop3A_199 : i32 to index
          %parallel_loop3A_205 = tpu.vector_load %arg11[%parallel_loop3A_204] {strides = array<i32>} : memref<8192xi32, #tpu.memory_space<vmem>>, vector<16xi32>,
          %parallel_loop3A_206 = tpu.vector_load_idx %arg7[%parallel_loop3A_205] : memref<16384xf32, #tpu.memory_space<vmem>>[vector<16xi32>], vector<16xf32>,
          %parallel_loop3A_207 = arith.mulf %parallel_loop3A_201, %parallel_loop3A_206 : vector<16xf32>
          %parallel_loop3A_208 = arith.constant true
          %parallel_loop3A_209 = vector.broadcast %parallel_loop3A_208 : i1 to vector<16xi1>
          %parallel_loop3A_210 = tpu.scan <sum>, %parallel_loop3A_207 masked %parallel_loop3A_209 : vector<16xf32>, vector<16xi1> -> vector<16xf32>
          %parallel_loop3A_211 = vector.shape_cast %min3A_6 : vector<16xi32> to vector<16x1xi32>
          %parallel_loop3A_212 = vector.shape_cast %parallel_loop3A_211 : vector<16x1xi32> to vector<16xi32>
          %parallel_loop3A_213 = tpu.dynamic_gather %parallel_loop3A_203[%parallel_loop3A_212] in [0] : vector<16xi32>, vector<16xi32> -> vector<16xi32>
          %parallel_loop3A_214 = arith.cmpi ne, %parallel_loop3A_203, %parallel_loop3A_213 : vector<16xi32>
          %parallel_loop3A_215 = arith.ori %parallel_loop3A_214, %eq3A_9 : vector<16xi1>
          tpu.vector_store_idx %arg8[%parallel_loop3A_203], %parallel_loop3A_210 masked %parallel_loop3A_215 {add = true} : memref<16384xf32, #tpu.memory_space<vmem>>[vector<16xi32>], vector<16xf32>, vector<16xi1>
          %parallel_loop3A_216 = arith.constant 0.000000e+00 : f32
          %parallel_loop3A_217 = vector.broadcast %parallel_loop3A_216 : f32 to vector<16xf32>
          %parallel_loop3A_218 = arith.subf %parallel_loop3A_217, %parallel_loop3A_210 : vector<16xf32>
          %parallel_loop3A_219 = arith.andi %parallel_loop3A_215, %lt3A_11 : vector<16xi1>
          tpu.vector_store_idx %arg8[%parallel_loop3A_213], %parallel_loop3A_218 masked %parallel_loop3A_219 {add = true} : memref<16384xf32, #tpu.memory_space<vmem>>[vector<16xi32>], vector<16xf32>, vector<16xi1>
        } {sc.loop_unroll_factor = 8 : i64, sc.parallel_access}
      } else {
      }
      %jit3A_152 = arith.constant 2 : i32
      %eq3A_153 = arith.constant 0 : i32
      %eq3A_154 = arith.cmpi eq, %jit3A_152, %eq3A_153 : i32
      %jit3A_155 = arith.constant 1 : i32
      %select_n3A_156 = arith.select %eq3A_154, %jit3A_155, %jit3A_152 : i32
      %rem3A_157 = arith.remsi %while3A_127, %select_n3A_156 : i32
      %ne3A_158 = arith.constant 0 : i32
      %ne3A_159 = arith.cmpi ne, %rem3A_157, %ne3A_158 : i32
      %lt3A_160 = arith.constant 0 : i32
      %lt3A_161 = arith.cmpi slt, %rem3A_157, %lt3A_160 : i32
      %lt3A_162 = arith.constant 0 : i32
      %lt3A_163 = arith.cmpi slt, %select_n3A_156, %lt3A_162 : i32
      %ne3A_164 = arith.xori %lt3A_161, %lt3A_163 : i1
      %and3A_165 = arith.andi %ne3A_164, %ne3A_159 : i1
      %add3A_166 = arith.addi %rem3A_157, %select_n3A_156 : i32
      %select_n3A_167 = arith.select %and3A_165, %add3A_166, %rem3A_157 : i32
      %eq3A_168 = arith.constant 1 : i32
      %eq3A_169 = arith.cmpi eq, %select_n3A_167, %eq3A_168 : i32
      %convert_element_type3A_170 = arith.extui %eq3A_169 : i1 to i32
      %cond3A_171 = arith.constant 0 : i32
      %cond3A_172 = arith.cmpi ne, %convert_element_type3A_170, %cond3A_171 : i32
      scf.if %cond3A_172 {
        %min3A_173 = arith.constant 326 : i32
        %min3A_174 = arith.minsi %add3A_130, %min3A_173 : i32
        %mul3A_175 = arith.constant 8192 : i32
        %mul3A_176 = arith.muli %min3A_174, %mul3A_175 : i32
        %dma_start3A_177 = tpu.memref_slice %arg3[%mul3A_176] : memref<2684354xf32, #tpu.memory_space<hbm>> -> memref<8192xf32, #tpu.memory_space<hbm>>
        %dma_start3A_178 = tpu.memref_slice %arg3[%mul3A_176] : memref<2684354xf32, #tpu.memory_space<hbm>> -> memref<8192xf32, #tpu.memory_space<hbm>>
        tpu.enqueue_dma source(%dma_start3A_178 : memref<8192xf32, #tpu.memory_space<hbm>>) target(%arg9 : memref<8192xf32, #tpu.memory_space<vmem>>) target_semaphore(%arg18 : memref<!tpu.dma_semaphore, #tpu.memory_space<semaphore_mem>>)
        %dma_start3A_179 = tpu.memref_slice %arg4[%mul3A_176] : memref<2684354xi32, #tpu.memory_space<hbm>> -> memref<8192xi32, #tpu.memory_space<hbm>>
        %dma_start3A_180 = tpu.memref_slice %arg4[%mul3A_176] : memref<2684354xi32, #tpu.memory_space<hbm>> -> memref<8192xi32, #tpu.memory_space<hbm>>
        tpu.enqueue_dma source(%dma_start3A_180 : memref<8192xi32, #tpu.memory_space<hbm>>) target(%arg10 : memref<8192xi32, #tpu.memory_space<vmem>>) target_semaphore(%arg18 : memref<!tpu.dma_semaphore, #tpu.memory_space<semaphore_mem>>)
        %dma_start3A_181 = tpu.memref_slice %arg5[%mul3A_176] : memref<2684354xi32, #tpu.memory_space<hbm>> -> memref<8192xi32, #tpu.memory_space<hbm>>
        %dma_start3A_182 = tpu.memref_slice %arg5[%mul3A_176] : memref<2684354xi32, #tpu.memory_space<hbm>> -> memref<8192xi32, #tpu.memory_space<hbm>>
        tpu.enqueue_dma source(%dma_start3A_182 : memref<8192xi32, #tpu.memory_space<hbm>>) target(%arg11 : memref<8192xi32, #tpu.memory_space<vmem>>) target_semaphore(%arg18 : memref<!tpu.dma_semaphore, #tpu.memory_space<semaphore_mem>>)
        %dma_wait3A = arith.constant 0 : i32
        %dma_wait3A_183 = tpu.memref_slice %arg3[%dma_wait3A] : memref<2684354xf32, #tpu.memory_space<hbm>> -> memref<8192xf32, #tpu.memory_space<hbm>>
        %dma_wait3A_184 = arith.constant 0 : i32
        %dma_wait3A_185 = tpu.memref_slice %arg3[%dma_wait3A_184] : memref<2684354xf32, #tpu.memory_space<hbm>> -> memref<8192xf32, #tpu.memory_space<hbm>>
        tpu.wait_dma2 semaphore(%arg19 : memref<!tpu.dma_semaphore, #tpu.memory_space<semaphore_mem>>) src(%dma_wait3A_185 : memref<8192xf32, #tpu.memory_space<hbm>>) dst(%arg12 : memref<8192xf32, #tpu.memory_space<vmem>>)
        %dma_wait3A_186 = arith.constant 0 : i32
        %dma_wait3A_187 = tpu.memref_slice %arg4[%dma_wait3A_186] : memref<2684354xi32, #tpu.memory_space<hbm>> -> memref<8192xi32, #tpu.memory_space<hbm>>
        %dma_wait3A_188 = arith.constant 0 : i32
        %dma_wait3A_189 = tpu.memref_slice %arg4[%dma_wait3A_188] : memref<2684354xi32, #tpu.memory_space<hbm>> -> memref<8192xi32, #tpu.memory_space<hbm>>
        tpu.wait_dma2 semaphore(%arg19 : memref<!tpu.dma_semaphore, #tpu.memory_space<semaphore_mem>>) src(%dma_wait3A_189 : memref<8192xi32, #tpu.memory_space<hbm>>) dst(%arg13 : memref<8192xi32, #tpu.memory_space<vmem>>)
        %dma_wait3A_190 = arith.constant 0 : i32
        %dma_wait3A_191 = tpu.memref_slice %arg5[%dma_wait3A_190] : memref<2684354xi32, #tpu.memory_space<hbm>> -> memref<8192xi32, #tpu.memory_space<hbm>>
        %dma_wait3A_192 = arith.constant 0 : i32
        %dma_wait3A_193 = tpu.memref_slice %arg5[%dma_wait3A_192] : memref<2684354xi32, #tpu.memory_space<hbm>> -> memref<8192xi32, #tpu.memory_space<hbm>>
        tpu.wait_dma2 semaphore(%arg19 : memref<!tpu.dma_semaphore, #tpu.memory_space<semaphore_mem>>) src(%dma_wait3A_193 : memref<8192xi32, #tpu.memory_space<hbm>>) dst(%arg14 : memref<8192xi32, #tpu.memory_space<vmem>>)
        %parallel_loop3A_194 = arith.constant 0 : i32
        %parallel_loop3A_195 = arith.constant 512 : i32
        %parallel_loop3A_196 = arith.constant 1 : i32
        scf.for %parallel_loop3A_197 = %parallel_loop3A_194 to %parallel_loop3A_195 step %parallel_loop3A_196  : i32 {
          %parallel_loop3A_198 = arith.constant 16 : i32
          %parallel_loop3A_199 = arith.muli %parallel_loop3A_197, %parallel_loop3A_198 : i32
          %parallel_loop3A_200 = arith.index_cast %parallel_loop3A_199 : i32 to index
          %parallel_loop3A_201 = tpu.vector_load %arg12[%parallel_loop3A_200] {strides = array<i32>} : memref<8192xf32, #tpu.memory_space<vmem>>, vector<16xf32>,
          %parallel_loop3A_202 = arith.index_cast %parallel_loop3A_199 : i32 to index
          %parallel_loop3A_203 = tpu.vector_load %arg13[%parallel_loop3A_202] {strides = array<i32>} : memref<8192xi32, #tpu.memory_space<vmem>>, vector<16xi32>,
          %parallel_loop3A_204 = arith.index_cast %parallel_loop3A_199 : i32 to index
          %parallel_loop3A_205 = tpu.vector_load %arg14[%parallel_loop3A_204] {strides = array<i32>} : memref<8192xi32, #tpu.memory_space<vmem>>, vector<16xi32>,
          %parallel_loop3A_206 = tpu.vector_load_idx %arg7[%parallel_loop3A_205] : memref<16384xf32, #tpu.memory_space<vmem>>[vector<16xi32>], vector<16xf32>,
          %parallel_loop3A_207 = arith.mulf %parallel_loop3A_201, %parallel_loop3A_206 : vector<16xf32>
          %parallel_loop3A_208 = arith.constant true
          %parallel_loop3A_209 = vector.broadcast %parallel_loop3A_208 : i1 to vector<16xi1>
          %parallel_loop3A_210 = tpu.scan <sum>, %parallel_loop3A_207 masked %parallel_loop3A_209 : vector<16xf32>, vector<16xi1> -> vector<16xf32>
          %parallel_loop3A_211 = vector.shape_cast %min3A_6 : vector<16xi32> to vector<16x1xi32>
          %parallel_loop3A_212 = vector.shape_cast %parallel_loop3A_211 : vector<16x1xi32> to vector<16xi32>
          %parallel_loop3A_213 = tpu.dynamic_gather %parallel_loop3A_203[%parallel_loop3A_212] in [0] : vector<16xi32>, vector<16xi32> -> vector<16xi32>
          %parallel_loop3A_214 = arith.cmpi ne, %parallel_loop3A_203, %parallel_loop3A_213 : vector<16xi32>
          %parallel_loop3A_215 = arith.ori %parallel_loop3A_214, %eq3A_9 : vector<16xi1>
          tpu.vector_store_idx %arg8[%parallel_loop3A_203], %parallel_loop3A_210 masked %parallel_loop3A_215 {add = true} : memref<16384xf32, #tpu.memory_space<vmem>>[vector<16xi32>], vector<16xf32>, vector<16xi1>
          %parallel_loop3A_216 = arith.constant 0.000000e+00 : f32
          %parallel_loop3A_217 = vector.broadcast %parallel_loop3A_216 : f32 to vector<16xf32>
          %parallel_loop3A_218 = arith.subf %parallel_loop3A_217, %parallel_loop3A_210 : vector<16xf32>
          %parallel_loop3A_219 = arith.andi %parallel_loop3A_215, %lt3A_11 : vector<16xi1>
          tpu.vector_store_idx %arg8[%parallel_loop3A_213], %parallel_loop3A_218 masked %parallel_loop3A_219 {add = true} : memref<16384xf32, #tpu.memory_space<vmem>>[vector<16xi32>], vector<16xf32>, vector<16xi1>
        } {sc.loop_unroll_factor = 8 : i64, sc.parallel_access}
      } else {
      }
    }
    %jit3A_82 = arith.constant 2 : i32
    %eq3A_83 = arith.constant 0 : i32
    %eq3A_84 = arith.cmpi eq, %jit3A_82, %eq3A_83 : i32
    %jit3A_85 = arith.constant 1 : i32
    %select_n3A_86 = arith.select %eq3A_84, %jit3A_85, %jit3A_82 : i32
    %rem3A_87 = arith.remsi %sub3A_60, %select_n3A_86 : i32
    %ne3A_88 = arith.constant 0 : i32
    %ne3A_89 = arith.cmpi ne, %rem3A_87, %ne3A_88 : i32
    %lt3A_90 = arith.constant 0 : i32
    %lt3A_91 = arith.cmpi slt, %rem3A_87, %lt3A_90 : i32
    %lt3A_92 = arith.constant 0 : i32
    %lt3A_93 = arith.cmpi slt, %select_n3A_86, %lt3A_92 : i32
    %ne3A_94 = arith.xori %lt3A_91, %lt3A_93 : i1
    %and3A_95 = arith.andi %ne3A_94, %ne3A_89 : i1
    %add3A_96 = arith.addi %rem3A_87, %select_n3A_86 : i32
    %select_n3A_97 = arith.select %and3A_95, %add3A_96, %rem3A_87 : i32
    %eq3A_98 = arith.constant 0 : i32
    %eq3A_99 = arith.cmpi eq, %select_n3A_97, %eq3A_98 : i32
    %convert_element_type3A_100 = arith.extui %eq3A_99 : i1 to i32
    %cond3A_101 = arith.constant 0 : i32
    %cond3A_102 = arith.cmpi ne, %convert_element_type3A_100, %cond3A_101 : i32
    scf.if %cond3A_102 {
      %dma_wait3A = arith.constant 0 : i32
      %dma_wait3A_127 = tpu.memref_slice %arg3[%dma_wait3A] : memref<2684354xf32, #tpu.memory_space<hbm>> -> memref<8192xf32, #tpu.memory_space<hbm>>
      %dma_wait3A_128 = arith.constant 0 : i32
      %dma_wait3A_129 = tpu.memref_slice %arg3[%dma_wait3A_128] : memref<2684354xf32, #tpu.memory_space<hbm>> -> memref<8192xf32, #tpu.memory_space<hbm>>
      tpu.wait_dma2 semaphore(%arg18 : memref<!tpu.dma_semaphore, #tpu.memory_space<semaphore_mem>>) src(%dma_wait3A_129 : memref<8192xf32, #tpu.memory_space<hbm>>) dst(%arg9 : memref<8192xf32, #tpu.memory_space<vmem>>)
      %dma_wait3A_130 = arith.constant 0 : i32
      %dma_wait3A_131 = tpu.memref_slice %arg4[%dma_wait3A_130] : memref<2684354xi32, #tpu.memory_space<hbm>> -> memref<8192xi32, #tpu.memory_space<hbm>>
      %dma_wait3A_132 = arith.constant 0 : i32
      %dma_wait3A_133 = tpu.memref_slice %arg4[%dma_wait3A_132] : memref<2684354xi32, #tpu.memory_space<hbm>> -> memref<8192xi32, #tpu.memory_space<hbm>>
      tpu.wait_dma2 semaphore(%arg18 : memref<!tpu.dma_semaphore, #tpu.memory_space<semaphore_mem>>) src(%dma_wait3A_133 : memref<8192xi32, #tpu.memory_space<hbm>>) dst(%arg10 : memref<8192xi32, #tpu.memory_space<vmem>>)
      %dma_wait3A_134 = arith.constant 0 : i32
      %dma_wait3A_135 = tpu.memref_slice %arg5[%dma_wait3A_134] : memref<2684354xi32, #tpu.memory_space<hbm>> -> memref<8192xi32, #tpu.memory_space<hbm>>
      %dma_wait3A_136 = arith.constant 0 : i32
      %dma_wait3A_137 = tpu.memref_slice %arg5[%dma_wait3A_136] : memref<2684354xi32, #tpu.memory_space<hbm>> -> memref<8192xi32, #tpu.memory_space<hbm>>
      tpu.wait_dma2 semaphore(%arg18 : memref<!tpu.dma_semaphore, #tpu.memory_space<semaphore_mem>>) src(%dma_wait3A_137 : memref<8192xi32, #tpu.memory_space<hbm>>) dst(%arg11 : memref<8192xi32, #tpu.memory_space<vmem>>)
    } else {
    }
    %jit3A_103 = arith.constant 2 : i32
    %eq3A_104 = arith.constant 0 : i32
    %eq3A_105 = arith.cmpi eq, %jit3A_103, %eq3A_104 : i32
    %jit3A_106 = arith.constant 1 : i32
    %select_n3A_107 = arith.select %eq3A_105, %jit3A_106, %jit3A_103 : i32
    %rem3A_108 = arith.remsi %sub3A_60, %select_n3A_107 : i32
    %ne3A_109 = arith.constant 0 : i32
    %ne3A_110 = arith.cmpi ne, %rem3A_108, %ne3A_109 : i32
    %lt3A_111 = arith.constant 0 : i32
    %lt3A_112 = arith.cmpi slt, %rem3A_108, %lt3A_111 : i32
    %lt3A_113 = arith.constant 0 : i32
    %lt3A_114 = arith.cmpi slt, %select_n3A_107, %lt3A_113 : i32
    %ne3A_115 = arith.xori %lt3A_112, %lt3A_114 : i1
    %and3A_116 = arith.andi %ne3A_115, %ne3A_110 : i1
    %add3A_117 = arith.addi %rem3A_108, %select_n3A_107 : i32
    %select_n3A_118 = arith.select %and3A_116, %add3A_117, %rem3A_108 : i32
    %eq3A_119 = arith.constant 1 : i32
    %eq3A_120 = arith.cmpi eq, %select_n3A_118, %eq3A_119 : i32
    %convert_element_type3A_121 = arith.extui %eq3A_120 : i1 to i32
    %cond3A_122 = arith.constant 0 : i32
    %cond3A_123 = arith.cmpi ne, %convert_element_type3A_121, %cond3A_122 : i32
    scf.if %cond3A_123 {
      %dma_wait3A = arith.constant 0 : i32
      %dma_wait3A_127 = tpu.memref_slice %arg3[%dma_wait3A] : memref<2684354xf32, #tpu.memory_space<hbm>> -> memref<8192xf32, #tpu.memory_space<hbm>>
      %dma_wait3A_128 = arith.constant 0 : i32
      %dma_wait3A_129 = tpu.memref_slice %arg3[%dma_wait3A_128] : memref<2684354xf32, #tpu.memory_space<hbm>> -> memref<8192xf32, #tpu.memory_space<hbm>>
      tpu.wait_dma2 semaphore(%arg19 : memref<!tpu.dma_semaphore, #tpu.memory_space<semaphore_mem>>) src(%dma_wait3A_129 : memref<8192xf32, #tpu.memory_space<hbm>>) dst(%arg12 : memref<8192xf32, #tpu.memory_space<vmem>>)
      %dma_wait3A_130 = arith.constant 0 : i32
      %dma_wait3A_131 = tpu.memref_slice %arg4[%dma_wait3A_130] : memref<2684354xi32, #tpu.memory_space<hbm>> -> memref<8192xi32, #tpu.memory_space<hbm>>
      %dma_wait3A_132 = arith.constant 0 : i32
      %dma_wait3A_133 = tpu.memref_slice %arg4[%dma_wait3A_132] : memref<2684354xi32, #tpu.memory_space<hbm>> -> memref<8192xi32, #tpu.memory_space<hbm>>
      tpu.wait_dma2 semaphore(%arg19 : memref<!tpu.dma_semaphore, #tpu.memory_space<semaphore_mem>>) src(%dma_wait3A_133 : memref<8192xi32, #tpu.memory_space<hbm>>) dst(%arg13 : memref<8192xi32, #tpu.memory_space<vmem>>)
      %dma_wait3A_134 = arith.constant 0 : i32
      %dma_wait3A_135 = tpu.memref_slice %arg5[%dma_wait3A_134] : memref<2684354xi32, #tpu.memory_space<hbm>> -> memref<8192xi32, #tpu.memory_space<hbm>>
      %dma_wait3A_136 = arith.constant 0 : i32
      %dma_wait3A_137 = tpu.memref_slice %arg5[%dma_wait3A_136] : memref<2684354xi32, #tpu.memory_space<hbm>> -> memref<8192xi32, #tpu.memory_space<hbm>>
      tpu.wait_dma2 semaphore(%arg19 : memref<!tpu.dma_semaphore, #tpu.memory_space<semaphore_mem>>) src(%dma_wait3A_137 : memref<8192xi32, #tpu.memory_space<hbm>>) dst(%arg14 : memref<8192xi32, #tpu.memory_space<vmem>>)
    } else {
    }
    %convert_element_type3A_124 = arith.extui %eq3A_1 : i1 to i32
    %cond3A_125 = arith.constant 0 : i32
    %cond3A_126 = arith.cmpi ne, %convert_element_type3A_124, %cond3A_125 : i32
    scf.if %cond3A_126 {
      %dma_wait3A = arith.constant 0 : i32
      %dma_wait3A_127 = tpu.memref_slice %arg15[%dma_wait3A] : memref<8208xf32, #tpu.memory_space<vmem>> -> memref<8194xf32, #tpu.memory_space<vmem>>
      %dma_wait3A_128 = arith.constant 0 : i32
      %dma_wait3A_129 = tpu.memref_slice %arg3[%dma_wait3A_128] : memref<2684354xf32, #tpu.memory_space<hbm>> -> memref<8194xf32, #tpu.memory_space<hbm>>
      %dma_wait3A_130 = arith.constant 0 : i32
      %dma_wait3A_131 = tpu.memref_slice %arg15[%dma_wait3A_130] : memref<8208xf32, #tpu.memory_space<vmem>> -> memref<8194xf32, #tpu.memory_space<vmem>>
      %dma_wait3A_132 = arith.constant 0 : i32
      %dma_wait3A_133 = tpu.memref_slice %arg3[%dma_wait3A_132] : memref<2684354xf32, #tpu.memory_space<hbm>> -> memref<8194xf32, #tpu.memory_space<hbm>>
      tpu.wait_dma2 semaphore(%arg20 : memref<!tpu.dma_semaphore, #tpu.memory_space<semaphore_mem>>) src(%dma_wait3A_133 : memref<8194xf32, #tpu.memory_space<hbm>>) dst(%dma_wait3A_131 : memref<8194xf32, #tpu.memory_space<vmem>>)
      %dma_wait3A_134 = arith.constant 0 : i32
      %dma_wait3A_135 = tpu.memref_slice %arg16[%dma_wait3A_134] : memref<8208xi32, #tpu.memory_space<vmem>> -> memref<8194xi32, #tpu.memory_space<vmem>>
      %dma_wait3A_136 = arith.constant 0 : i32
      %dma_wait3A_137 = tpu.memref_slice %arg4[%dma_wait3A_136] : memref<2684354xi32, #tpu.memory_space<hbm>> -> memref<8194xi32, #tpu.memory_space<hbm>>
      %dma_wait3A_138 = arith.constant 0 : i32
      %dma_wait3A_139 = tpu.memref_slice %arg16[%dma_wait3A_138] : memref<8208xi32, #tpu.memory_space<vmem>> -> memref<8194xi32, #tpu.memory_space<vmem>>
      %dma_wait3A_140 = arith.constant 0 : i32
      %dma_wait3A_141 = tpu.memref_slice %arg4[%dma_wait3A_140] : memref<2684354xi32, #tpu.memory_space<hbm>> -> memref<8194xi32, #tpu.memory_space<hbm>>
      tpu.wait_dma2 semaphore(%arg20 : memref<!tpu.dma_semaphore, #tpu.memory_space<semaphore_mem>>) src(%dma_wait3A_141 : memref<8194xi32, #tpu.memory_space<hbm>>) dst(%dma_wait3A_139 : memref<8194xi32, #tpu.memory_space<vmem>>)
      %dma_wait3A_142 = arith.constant 0 : i32
      %dma_wait3A_143 = tpu.memref_slice %arg17[%dma_wait3A_142] : memref<8208xi32, #tpu.memory_space<vmem>> -> memref<8194xi32, #tpu.memory_space<vmem>>
      %dma_wait3A_144 = arith.constant 0 : i32
      %dma_wait3A_145 = tpu.memref_slice %arg5[%dma_wait3A_144] : memref<2684354xi32, #tpu.memory_space<hbm>> -> memref<8194xi32, #tpu.memory_space<hbm>>
      %dma_wait3A_146 = arith.constant 0 : i32
      %dma_wait3A_147 = tpu.memref_slice %arg17[%dma_wait3A_146] : memref<8208xi32, #tpu.memory_space<vmem>> -> memref<8194xi32, #tpu.memory_space<vmem>>
      %dma_wait3A_148 = arith.constant 0 : i32
      %dma_wait3A_149 = tpu.memref_slice %arg5[%dma_wait3A_148] : memref<2684354xi32, #tpu.memory_space<hbm>> -> memref<8194xi32, #tpu.memory_space<hbm>>
      tpu.wait_dma2 semaphore(%arg20 : memref<!tpu.dma_semaphore, #tpu.memory_space<semaphore_mem>>) src(%dma_wait3A_149 : memref<8194xi32, #tpu.memory_space<hbm>>) dst(%dma_wait3A_147 : memref<8194xi32, #tpu.memory_space<vmem>>)
      %parallel_loop3A_150 = arith.constant 0 : i32
      %parallel_loop3A_151 = arith.constant 513 : i32
      %parallel_loop3A_152 = arith.constant 1 : i32
      scf.for %parallel_loop3A_153 = %parallel_loop3A_150 to %parallel_loop3A_151 step %parallel_loop3A_152  : i32 {
        %parallel_loop3A_154 = arith.constant 16 : i32
        %parallel_loop3A_155 = arith.muli %parallel_loop3A_153, %parallel_loop3A_154 : i32
        %parallel_loop3A_156 = vector.broadcast %parallel_loop3A_155 : i32 to vector<16xi32>
        %parallel_loop3A_157 = arith.addi %parallel_loop3A_156, %iota3A : vector<16xi32>
        %parallel_loop3A_158 = arith.constant 2624 : i32
        %parallel_loop3A_159 = vector.broadcast %parallel_loop3A_158 : i32 to vector<16xi32>
        %parallel_loop3A_160 = arith.cmpi sge, %parallel_loop3A_157, %parallel_loop3A_159 : vector<16xi32>
        %parallel_loop3A_161 = arith.constant 8194 : i32
        %parallel_loop3A_162 = vector.broadcast %parallel_loop3A_161 : i32 to vector<16xi32>
        %parallel_loop3A_163 = arith.cmpi slt, %parallel_loop3A_157, %parallel_loop3A_162 : vector<16xi32>
        %parallel_loop3A_164 = arith.andi %parallel_loop3A_160, %parallel_loop3A_163 : vector<16xi1>
        %parallel_loop3A_165 = arith.index_cast %parallel_loop3A_155 : i32 to index
        %parallel_loop3A_166 = tpu.vector_load %arg15[%parallel_loop3A_165] {strides = array<i32>} : memref<8208xf32, #tpu.memory_space<vmem>>, vector<16xf32>,
        %parallel_loop3A_167 = arith.index_cast %parallel_loop3A_155 : i32 to index
        %parallel_loop3A_168 = tpu.vector_load %arg16[%parallel_loop3A_167] {strides = array<i32>} : memref<8208xi32, #tpu.memory_space<vmem>>, vector<16xi32>,
        %parallel_loop3A_169 = arith.index_cast %parallel_loop3A_155 : i32 to index
        %parallel_loop3A_170 = tpu.vector_load %arg17[%parallel_loop3A_169] {strides = array<i32>} : memref<8208xi32, #tpu.memory_space<vmem>>, vector<16xi32>,
        %parallel_loop3A_171 = arith.constant 0 : i32
        %parallel_loop3A_172 = vector.broadcast %parallel_loop3A_171 : i32 to vector<16xi32>
        %parallel_loop3A_173 = arith.select %parallel_loop3A_164, %parallel_loop3A_170, %parallel_loop3A_172 : vector<16xi1>, vector<16xi32>
        %parallel_loop3A_174 = tpu.vector_load_idx %arg7[%parallel_loop3A_173] : memref<16384xf32, #tpu.memory_space<vmem>>[vector<16xi32>], vector<16xf32>,
        %parallel_loop3A_175 = arith.mulf %parallel_loop3A_166, %parallel_loop3A_174 : vector<16xf32>
        %parallel_loop3A_176 = arith.constant 0.000000e+00 : f32
        %parallel_loop3A_177 = vector.broadcast %parallel_loop3A_176 : f32 to vector<16xf32>
        %parallel_loop3A_178 = arith.select %parallel_loop3A_164, %parallel_loop3A_175, %parallel_loop3A_177 : vector<16xi1>, vector<16xf32>
        %parallel_loop3A_179 = arith.constant true
        %parallel_loop3A_180 = vector.broadcast %parallel_loop3A_179 : i1 to vector<16xi1>
        %parallel_loop3A_181 = tpu.scan <sum>, %parallel_loop3A_178 masked %parallel_loop3A_180 : vector<16xf32>, vector<16xi1> -> vector<16xf32>
        %parallel_loop3A_182 = vector.shape_cast %min3A_6 : vector<16xi32> to vector<16x1xi32>
        %parallel_loop3A_183 = vector.shape_cast %parallel_loop3A_182 : vector<16x1xi32> to vector<16xi32>
        %parallel_loop3A_184 = tpu.dynamic_gather %parallel_loop3A_168[%parallel_loop3A_183] in [0] : vector<16xi32>, vector<16xi32> -> vector<16xi32>
        %parallel_loop3A_185 = arith.cmpi ne, %parallel_loop3A_168, %parallel_loop3A_184 : vector<16xi32>
        %parallel_loop3A_186 = arith.ori %parallel_loop3A_185, %eq3A_9 : vector<16xi1>
        %parallel_loop3A_187 = arith.constant 1 : i32
        %parallel_loop3A_188 = vector.broadcast %parallel_loop3A_187 : i32 to vector<16xi32>
        %parallel_loop3A_189 = arith.addi %parallel_loop3A_157, %parallel_loop3A_188 : vector<16xi32>
        %parallel_loop3A_190 = arith.constant 8194 : i32
        %parallel_loop3A_191 = vector.broadcast %parallel_loop3A_190 : i32 to vector<16xi32>
        %parallel_loop3A_192 = arith.cmpi eq, %parallel_loop3A_189, %parallel_loop3A_191 : vector<16xi32>
        %parallel_loop3A_193 = arith.ori %parallel_loop3A_186, %parallel_loop3A_192 : vector<16xi1>
        %parallel_loop3A_194 = arith.andi %parallel_loop3A_193, %parallel_loop3A_164 : vector<16xi1>
        tpu.vector_store_idx %arg8[%parallel_loop3A_168], %parallel_loop3A_181 masked %parallel_loop3A_194 {add = true} : memref<16384xf32, #tpu.memory_space<vmem>>[vector<16xi32>], vector<16xf32>, vector<16xi1>
        %parallel_loop3A_195 = arith.constant 0.000000e+00 : f32
        %parallel_loop3A_196 = vector.broadcast %parallel_loop3A_195 : f32 to vector<16xf32>
        %parallel_loop3A_197 = arith.subf %parallel_loop3A_196, %parallel_loop3A_181 : vector<16xf32>
        %parallel_loop3A_198 = arith.andi %parallel_loop3A_193, %lt3A_11 : vector<16xi1>
        %parallel_loop3A_199 = arith.andi %parallel_loop3A_198, %parallel_loop3A_164 : vector<16xi1>
        %parallel_loop3A_200 = arith.constant 1 : i32
        %parallel_loop3A_201 = vector.broadcast %parallel_loop3A_200 : i32 to vector<16xi32>
        %parallel_loop3A_202 = arith.addi %parallel_loop3A_157, %parallel_loop3A_201 : vector<16xi32>
        %parallel_loop3A_203 = arith.constant 8194 : i32
        %parallel_loop3A_204 = vector.broadcast %parallel_loop3A_203 : i32 to vector<16xi32>
        %parallel_loop3A_205 = arith.cmpi slt, %parallel_loop3A_202, %parallel_loop3A_204 : vector<16xi32>
        %parallel_loop3A_206 = arith.andi %parallel_loop3A_199, %parallel_loop3A_205 : vector<16xi1>
        tpu.vector_store_idx %arg8[%parallel_loop3A_184], %parallel_loop3A_197 masked %parallel_loop3A_206 {add = true} : memref<16384xf32, #tpu.memory_space<vmem>>[vector<16xi32>], vector<16xf32>, vector<16xi1>
      } {sc.loop_unroll_factor = 4 : i64, sc.parallel_access}
    } else {
    }
    "tpu.region"() ({
      %run_scoped3A = tpu.sem_alloc : memref<!tpu.dma_semaphore, #tpu.memory_space<semaphore_mem>>
      %dma_start3A_127 = arith.constant 0 : i32
      %dma_start3A_128 = tpu.memref_slice %arg6[%add3A, %dma_start3A_127] : memref<32x16384xf32, #tpu.memory_space<hbm>> -> memref<1x16384xf32, #tpu.memory_space<hbm>>
      %dma_start3A_129 = tpu.memref_squeeze %dma_start3A_128 : memref<1x16384xf32, #tpu.memory_space<hbm>> -> memref<16384xf32, #tpu.memory_space<hbm>>
      %dma_start3A_130 = arith.constant 0 : i32
      %dma_start3A_131 = tpu.memref_slice %arg6[%add3A, %dma_start3A_130] : memref<32x16384xf32, #tpu.memory_space<hbm>> -> memref<1x16384xf32, #tpu.memory_space<hbm>>
      %dma_start3A_132 = tpu.memref_squeeze %dma_start3A_131 : memref<1x16384xf32, #tpu.memory_space<hbm>> -> memref<16384xf32, #tpu.memory_space<hbm>>
      tpu.enqueue_dma source(%arg8 : memref<16384xf32, #tpu.memory_space<vmem>>) target(%dma_start3A_132 : memref<16384xf32, #tpu.memory_space<hbm>>) target_semaphore(%run_scoped3A : memref<!tpu.dma_semaphore, #tpu.memory_space<semaphore_mem>>)
      %dma_wait3A = arith.constant 0 : i32
      %dma_wait3A_133 = tpu.memref_slice %arg6[%add3A, %dma_wait3A] : memref<32x16384xf32, #tpu.memory_space<hbm>> -> memref<1x16384xf32, #tpu.memory_space<hbm>>
      %dma_wait3A_134 = tpu.memref_squeeze %dma_wait3A_133 : memref<1x16384xf32, #tpu.memory_space<hbm>> -> memref<16384xf32, #tpu.memory_space<hbm>>
      %dma_wait3A_135 = arith.constant 0 : i32
      %dma_wait3A_136 = tpu.memref_slice %arg6[%add3A, %dma_wait3A_135] : memref<32x16384xf32, #tpu.memory_space<hbm>> -> memref<1x16384xf32, #tpu.memory_space<hbm>>
      %dma_wait3A_137 = tpu.memref_squeeze %dma_wait3A_136 : memref<1x16384xf32, #tpu.memory_space<hbm>> -> memref<16384xf32, #tpu.memory_space<hbm>>
      tpu.wait_dma2 semaphore(%run_scoped3A : memref<!tpu.dma_semaphore, #tpu.memory_space<semaphore_mem>>) src(%arg8 : memref<16384xf32, #tpu.memory_space<vmem>>) dst(%dma_wait3A_137 : memref<16384xf32, #tpu.memory_space<hbm>>)
      tpu.yield
    }) : () -> ()
    return
  }
}

module attributes {stable_mosaic.version = 14 : i64} {
  func.func @body(%arg0: memref<32x16384xf32, #tpu.memory_space<any>>, %arg1: memref<128x128xf32, #tpu.memory_space<vmem>>, %arg2: memref<1x1xf32, #tpu.memory_space<vmem>>, %arg3: memref<32x16384xf32, #tpu.memory_space<vmem>>, %arg4: memref<!tpu.dma_semaphore, #tpu.memory_space<semaphore_mem>>) attributes {dimension_semantics = [], scalar_prefetch = 0 : i64, scratch_operands = 2 : i64, tpu.core_type = #tpu.core_type<tc>} {
    tpu.enqueue_dma source(%arg0 : memref<32x16384xf32, #tpu.memory_space<any>>) target(%arg3 : memref<32x16384xf32, #tpu.memory_space<vmem>>) target_semaphore(%arg4 : memref<!tpu.dma_semaphore, #tpu.memory_space<semaphore_mem>>)
    tpu.wait_dma2 semaphore(%arg4 : memref<!tpu.dma_semaphore, #tpu.memory_space<semaphore_mem>>) src(%arg0 : memref<32x16384xf32, #tpu.memory_space<any>>) dst(%arg3 : memref<32x16384xf32, #tpu.memory_space<vmem>>)
    %get3A = arith.constant 0 : index
    %get3A_0 = arith.constant 0 : index
    %get3A_1 = vector.load %arg3[%get3A, %get3A_0] : memref<32x16384xf32, #tpu.memory_space<vmem>>, vector<32x16384xf32>
    %reduce_sum3A = arith.constant dense<0.000000e+00> : vector<16384xf32>
    %reduce_sum3A_2 = vector.multi_reduction <add>, %get3A_1, %reduce_sum3A [0] : vector<32x16384xf32> to vector<16384xf32>
    %get3A_3 = arith.constant 0 : index
    %get3A_4 = arith.constant 0 : index
    %get3A_5 = vector.load %arg1[%get3A_3, %get3A_4] : memref<128x128xf32, #tpu.memory_space<vmem>>, vector<128x128xf32>
    %reshape3A = vector.shape_cast %get3A_5 : vector<128x128xf32> to vector<16384xf32>
    %sub3A = arith.subf %reshape3A, %reduce_sum3A_2 : vector<16384xf32>
    %mul3A = arith.mulf %sub3A, %sub3A : vector<16384xf32>
    %reduce_sum3A_6 = vector.shape_cast %mul3A : vector<16384xf32> to vector<1x16384xf32>
    %reduce_sum3A_7 = arith.constant dense<0.000000e+00> : vector<1xf32>
    %reduce_sum3A_8 = vector.multi_reduction <add>, %reduce_sum3A_6, %reduce_sum3A_7 [1] : vector<1x16384xf32> to vector<1xf32>
    %reduce_sum3A_9 = vector.shape_cast %reduce_sum3A_8 : vector<1xf32> to vector<1x1xf32>
    %reduce_sum3A_10 = vector.extract %reduce_sum3A_9[0, 0] : f32 from vector<1x1xf32>
    %mul3A_11 = arith.mulf %reshape3A, %reshape3A : vector<16384xf32>
    %reduce_sum3A_12 = vector.shape_cast %mul3A_11 : vector<16384xf32> to vector<1x16384xf32>
    %reduce_sum3A_13 = arith.constant dense<0.000000e+00> : vector<1xf32>
    %reduce_sum3A_14 = vector.multi_reduction <add>, %reduce_sum3A_12, %reduce_sum3A_13 [1] : vector<1x16384xf32> to vector<1xf32>
    %reduce_sum3A_15 = vector.shape_cast %reduce_sum3A_14 : vector<1xf32> to vector<1x1xf32>
    %reduce_sum3A_16 = vector.extract %reduce_sum3A_15[0, 0] : f32 from vector<1x1xf32>
    %sqrt3A = math.sqrt %reduce_sum3A_10 : f32
    %sqrt3A_17 = math.sqrt %reduce_sum3A_16 : f32
    %add3A = arith.constant 9.99999996E-13 : f32
    %add3A_18 = arith.addf %sqrt3A_17, %add3A : f32
    %div3A = arith.divf %sqrt3A, %add3A_18 : f32
    %broadcast_in_dim3A = vector.broadcast %div3A : f32 to vector<1x1xf32>
    %swap3A = arith.constant 0 : index
    %swap3A_19 = arith.constant 0 : index
    %swap3A_20 = vector.load %arg2[%swap3A, %swap3A_19] : memref<1x1xf32, #tpu.memory_space<vmem>>, vector<1x1xf32>
    tpu.vector_store %arg2[%swap3A, %swap3A_19], %broadcast_in_dim3A {strides = array<i32>} : memref<1x1xf32, #tpu.memory_space<vmem>>, vector<1x1xf32>,
    return
  }
}

</mosaic_0001>

<sc_bundles>
// kernel: kernel.4.cloned.1.call-start
scs
__scs_entry_jumppad:
0x0: {  	(pc) =	sbr.rel $0x88, $3  }
0x1: {  	(tag) =	ssettag $0x0;
	lr =	simm.s32 $0x1  }
0x2: {  	[smem:$0x3F9C] =	sst lr;
	_ =	strace $0xD0000000  }
0x3: {  	_ = 	snop  }
0x4: {  	_ = 	snop  }
0x5: {  	_ = 	snop  }
0x6: {  	_ = 	snop  }
0x7: {  	_ = 	snop  }
__scs_overlays_trampoline_lowered:
0x8: {  	[smem:$0x3FAB] =	sst s0  }
0x9: {  	[smem:$0x3FAC] =	sst s1  }
0xa: {  	[smem:$0x3FAD] =	sst s2  }
0xb: {  	[smem:$0x3FAE] =	sst s3  }
0xc: {  	[smem:$0x3FAF] =	sst s4  }
0xd: {  	[smem:$0x3FB0] =	sst s5  }
0xe: {  	[smem:$0x3FB1] =	sst s6  }
0xf: {  	[smem:$0x3FB2] =	sst s7  }
0x10: {  	[smem:$0x3FB3] =	sst s8  }
0x11: {  	[smem:$0x3FB4] =	sst s9;
	s0 =	simm.s32 @!p0 $0x0  }
0x12: {  	s1 =	sld [smem:$0x3F9A];
	s0 =	simm.s32 @p0 $0x1  }
0x13: {  	[smem:$0x3FB5] =	sst s0;
	s0 =	simm.s32 @!p1 $0x0  }
0x14: {  	s2 =	sld [smem:$0x3F99];
	s0 =	simm.s32 @p1 $0x1  }
0x15: {  	[smem:$0x3FB6] =	sst s0;
	s0 =	simm.s32 @!p2 $0x0  }
0x16: {  	s3 =	sld [smem:$0x3FDB];
	s0 =	simm.s32 @p2 $0x1  }
0x17: {  	s4 =	simm.s32 $0x1BF5;
	[smem:$0x3FB8] =	sst s0  }
0x18: {  	s0 =	sld [smem:$0x3F9B];
	_ =	swait.ge [sflag:s4], $0x0  }
0x19: {  	s7 =	sld [smem:$0x3F9C]  }
0x1a: {  	s8 =	sadd.s32 $0xFFFFE003, lr  }
0x1b: {  	s9 =	sadd.s32 $0xFFFFFEF7, lr;
	s5 =	simm.s32 $0xFFFFFFFF;
	p2 =	slt.u32 s8, $0xFFFFF086  }
0x1c: {  	p1 =	slt.u32 s9, $0xF7A;
	s5 =	simm.s32 @!p2 $0x0  }
0x1d: {  	s5 =	simm.s32 @p1 $0x1;
	p0 =	seq.s32 s7, s2  }
0x1e: {  	s7 =	smul.u32 @!p0 $0xF7A, s2;
	p2 =	seq.s32 @!p0 s5, $0x0  }
0x1f: {  	s9 =	smul.u32 $0xF7A, s1;
	s8 =	simm.s32 @!p0 $0x1BF5;
	p2 =	por !p2, p0  }
0x20: {  	[sflag:s8] =	ssyncset.s32 @!p0 $0xFFFFF086;
	s6 =	sadd.s32 @!p0 s3, s7;
	s7 =	simm.s32 @!p0 $0x108  }
0x21: {  	s3 =	sadd.s32 s3, s9;
	s6 =	sadd.s32 @!p0 $0x88, s6;
	s7 =	simm.s32 @p2 $0x1082  }
0x22: {  	[simem:s7], [sflag:s8] =	dma.local @!p0 [hbm:s6], $0xF7A  }
0x23: {  	s9 =	sor.u32 $0xD0000000, s2;
	s6 =	simm.s32 $0x108;
	_ =	swait.ge @!p0 [sflag:s8], $0x0  }
0x24: {  	s3 =	sadd.s32 $0x88, s3;
	s6 =	simm.s32 @!p1 $0x1082;
	[sflag:s4] =	ssyncset.s32 $0xFFFFF086  }
0x25: {  	[simem:s6], [sflag:s4] =	dma.local [hbm:s3], $0xF7A  }
0x26: {  	[smem:$0x3F9C] =	sst s1;
	(tag) =	ssettag s2;
	_ =	strace s9  }
0x27: {  	s1 =	sld [smem:$0x3FAC]  }
0x28: {  	s2 =	sld [smem:$0x3FAD]  }
0x29: {  	s4 =	sld [smem:$0x3FAF]  }
0x2a: {  	p0 =	seq.s32 s5, $0x0;
	s5 =	sld [smem:$0x3FB0]  }
0x2b: {  	s6 =	sld [smem:$0x3FB1]  }
0x2c: {  	s7 =	sld [smem:$0x3FB2]  }
0x2d: {  	s3 =	simm.s32 $0x108;
	s8 =	sld [smem:$0x3FB3]  }
0x2e: {  	s3 =	simm.s32 @!p0 $0x1082;
	s9 =	sld [smem:$0x3FB4]  }
0x2f: {  	lr =	sadd.s32 s0, s3;
	s0 =	sld [smem:$0x3FAB]  }
0x30: {  	s3 =	sld [smem:$0x3FAE]  }
0x31: {  	[smem:$0x3FB7] =	sst s10  }
0x32: {  	s10 =	sld [smem:$0x3FB5];
	_ =	sdelay $0x3  }
0x33: {  	p0 =	seq.s32 s10, $0x1;
	s10 =	sld [smem:$0x3FB7];
	_ =	sdelay $0x3  }
0x34: {  	[smem:$0x3FB7] =	sst s10  }
0x35: {  	s10 =	sld [smem:$0x3FB6];
	_ =	sdelay $0x3  }
0x36: {  	p1 =	seq.s32 s10, $0x1;
	s10 =	sld [smem:$0x3FB7];
	_ =	sdelay $0x3  }
0x37: {  	[smem:$0x3FB7] =	sst s10  }
0x38: {  	s10 =	sld [smem:$0x3FB8]  }
0x39: {  	_ = 	snop;
	(pc) =	sbr.ind lr, $3  }
0x3a: {  	_ = 	snop  }
0x3b: {  	_ = 	snop  }
0x3c: {  	p2 =	seq.s32 s10, $0x1;
	s10 =	sld [smem:$0x3FB7]  }
0x3d: {  	_ =	shalt  }
0x3e: {  	_ =	shalt  }
0x3f: {  	_ =	shalt  }
0x40: {  	_ =	shalt  }
0x41: {  	_ =	shalt  }
0x42: {  	_ =	shalt  }
0x43: {  	_ =	shalt  }
0x44: {  	_ =	shalt  }
0x45: {  	_ =	shalt  }
0x46: {  	_ =	shalt  }
0x47: {  	_ =	shalt  }
0x48: {  	_ =	shalt  }
0x49: {  	_ =	shalt  }
0x4a: {  	_ =	shalt  }
0x4b: {  	_ =	shalt  }
0x4c: {  	_ =	shalt  }
0x4d: {  	_ =	shalt  }
0x4e: {  	_ =	shalt  }
0x4f: {  	_ =	shalt  }
0x50: {  	_ =	shalt  }
0x51: {  	_ =	shalt  }
0x52: {  	_ =	shalt  }
0x53: {  	_ =	shalt  }
0x54: {  	_ =	shalt  }
0x55: {  	_ =	shalt  }
0x56: {  	_ =	shalt  }
0x57: {  	_ =	shalt  }
0x58: {  	_ =	shalt  }
0x59: {  	_ =	shalt  }
0x5a: {  	_ =	shalt  }
0x5b: {  	_ =	shalt  }
0x5c: {  	_ =	shalt  }
0x5d: {  	_ =	shalt  }
0x5e: {  	_ =	shalt  }
0x5f: {  	_ =	shalt  }
0x60: {  	_ =	shalt  }
0x61: {  	_ =	shalt  }
0x62: {  	_ =	shalt  }
0x63: {  	_ =	shalt  }
0x64: {  	_ =	shalt  }
0x65: {  	_ =	shalt  }
0x66: {  	_ =	shalt  }
0x67: {  	_ =	shalt  }
0x68: {  	_ =	shalt  }
0x69: {  	_ =	shalt  }
0x6a: {  	_ =	shalt  }
0x6b: {  	_ =	shalt  }
0x6c: {  	_ =	shalt  }
0x6d: {  	_ =	shalt  }
0x6e: {  	_ =	shalt  }
0x6f: {  	_ =	shalt  }
0x70: {  	_ =	shalt  }
0x71: {  	_ =	shalt  }
0x72: {  	_ =	shalt  }
0x73: {  	_ =	shalt  }
0x74: {  	_ =	shalt  }
0x75: {  	_ =	shalt  }
0x76: {  	_ =	shalt  }
0x77: {  	_ =	shalt  }
0x78: {  	_ =	shalt  }
0x79: {  	_ =	shalt  }
0x7a: {  	_ =	shalt  }
0x7b: {  	_ =	shalt  }
0x7c: {  	_ =	shalt  }
0x7d: {  	_ =	shalt  }
0x7e: {  	_ =	shalt  }
0x7f: {  	_ =	shalt  }
0x80: {  	_ =	shalt  }
0x81: {  	_ =	shalt  }
0x82: {  	_ =	shalt  }
0x83: {  	_ =	shalt  }
0x84: {  	_ =	shalt  }
0x85: {  	_ =	shalt  }
0x86: {  	_ =	shalt  }
0x87: {  	_ =	shalt  }
.Lfunc_end0:
.L_simem_size_0:
called_computation_lowered:
.L_overlay_start_0:
0x88: {  	s2 =	sld [smem:$0x3FD9]  }
0x89: {  	s3 =	sld [smem:$0x3FFE];
	_ =	sdelay $0x1  }
0x8a: {  	s1 =	srdreg.scid  }
0x8b: {  	s0 =	sand.u32 $0x1, s1  }
0x8c: {  	s17 =	sshll.u32 s0, $0xA;
	s2 =	sadd.s32 s3, s2  }
0x8d: {  	s2 =	sadd.s32 s2, s17  }
0x8e: {  	[smem:$0x3FC3] =	sst s2  }
0x8f: {  	_ = 	snop  }
0x90: {  	s2 =	sld [smem:$0x3FC9]  }
0x91: {  	s18 =	sld [smem:$0x3FC7]  }
0x92: {  	s4 =	sld [smem:$0x3FC6]  }
0x93: {  	s5 =	sld [smem:$0x3FC5];
	(tm) =	ssettm $0x1  }
0x94: {  	s6 =	sld [smem:$0x3FFB];
	_ =	sdelay $0x3  }
0x95: {  	_ =	strace s6  }
0x96: {  	s6 =	sld [smem:$0x3FFC];
	_ =	sdelay $0x3  }
0x97: {  	_ =	strace s6  }
0x98: {  	s6 =	sld [smem:$0x3FFD];
	_ =	sdelay $0x3  }
0x99: {  	_ =	strace s6  }
0x9a: {  	_ =	strace $0x8FFFFFFF  }
0x9b: {  	s19 =	sld [smem:$0x3FDB];
	_ =	sdelay $0x1  }
0x9c: {  	s7 =	simm.s32 $_scs_section_size  }
0x9d: {  	s8 =	simm.s32 $_size__tile_overlayer_lowered;
	s9 =	simm.s32 $_tile_overlayer_lowered  }
0x9e: {  	s22 =	simm.s32 $0x1BFF;
	s21 =	sshll.u32 s9, $0x1;
	s6 =	sadd.s32 s7, s19  }
0x9f: {  	s10 =	simm.s32 $0x0;
	s20 =	sshll.u32 s8, $0x1;
	s8 =	sadd.s32 s21, s6  }
0xa0: {  	[timem:s10], [sflag:s22] =	dma.local [hbm:s8], s20  }
0xa1: {  	_ =	swait.ge [sflag:s22], s20  }
0xa2: {  	s7 =	ssub.s32 $0x0, s20;
	[sflag:s22] =	ssyncset.done $0x0  }
0xa3: {  	[sflag:s22] =	ssyncadd.s32 s7;
	_ =	sdelay $0x1  }
0xa4: {  	s23 =	simm.s32 $0x1B8B  }
0xa5: {  	_ =	swait.ge [sflag:s23], $0x1  }
0xa6: {  	[sflag:s23] =	ssyncset.done $0x0  }
0xa7: {  	s25 =	simm.s32 $0x1B8E;
	s24 =	sld [smem:$0x3FFE];
	[sflag:s23] =	ssyncadd.s32 $0xFFFFFFFF  }
0xa8: {  	s26 =	simm.s32 $execute0_lowered;
	[smem:$0x3FD2] =	sst s25  }
0xa9: {  	s8 =	sshll.u32 s26, $0x1;
	_ =	strace $0x80000046;
	[dreg:$0x1] =	wrdreg $0xFFFFFFFF  }
0xaa: {  	s28 =	simm.s32 $_size_execute0_lowered;
	s6 =	sadd.s32 s6, s8;
	[dreg:$0x0] =	wrdreg $0x0  }
0xab: {  	s8 =	sshll.u32 s28, $0x1;
	[dreg:$0x2] =	wrdreg s6  }
0xac: {  	[dreg:$0x3] =	wrdreg s8  }
0xad: {  	[dreg:$0x4] =	wrdreg $0xC0  }
0xae: {  	_ =	task [dreg:s10], $0x5FFFF  }
0xaf: {  	[dreg:$0x1] =	wrdreg $0xFFFFFFFF  }
0xb0: {  	[dreg:$0x0] =	wrdreg $0x60  }
0xb1: {  	[dreg:$0x2] =	wrdreg s2  }
0xb2: {  	[dreg:$0x3] =	wrdreg s18  }
0xb3: {  	[dreg:$0x4] =	wrdreg s4  }
0xb4: {  	[dreg:$0x5] =	wrdreg s5  }
0xb5: {  	[dreg:$0x6] =	wrdreg s24  }
0xb6: {  	[dreg:$0x7] =	wrdreg $0x9  }
0xb7: {  	_ =	task.clear_ibuf [dreg:s10], $0x8FFFF;
	_ =	strace $0x90000046  }
0xb8: {  	s29 =	simm.s32 $0x9;
	_ =	strace $0x80000048  }
0xb9: {  	_ =	swait.ge [sflag:s29], $0x1  }
0xba: {  	[sflag:s29] =	ssyncadd.s32 $0xFFFFFFFF  }
0xbb: {  	_ =	strace $0x90000048  }
0xbc: {  	_ =	sfence  }
0xbd: {  	s30 =	sld [smem:$0x0];
	_ =	sdelay $0x2  }
0xbe: {  	s31 =	sshll.u32 s1, $0xD;
	s1 =	sshrl.u32 s1, $0x2  }
0xbf: {  	s3 =	sand.u32 $0x4000, s31;
	s1 =	sadd.s32 s1, s30  }
0xc0: {  	s0 =	sor.u32 s3, s0;
	s1 =	sshll.u32 s1, $0x11  }
0xc1: {  	s0 =	sor.u32 s1, s0  }
0xc2: {  	s0 =	sadd.s32 $0x8F2B, s0  }
0xc3: {  	[sflag:s0] =	ssyncadd.remote.s32 $0x1  }
0xc4: {  	_ =	sfence.sel $0xFFFF  }
0xc5: {  	[dreg:$0x0] =	wrdreg $0xFFFFFFFF;
	(pc) =	sbr.abs _section_cstart, $3  }
0xc6: {  	[dreg:$0x1] =	wrdreg $0xFFFFFFFF  }
0xc7: {  	_ =	task.clear_ibuf [dreg:s10], $0x2FFFF;
	_ =	strace $0x9FFFFFFF  }
0xc8: {  	(tm) =	ssettm $0x7FFFFFFF  }
0xc9: {  	_ =	shalt  }
tec
execute0_lowered:
.L_overlay_start_1:
0x0: {  	(tag) =	ssettag $0x1  }
0x1: {  	s2 =	rddreg [dreg:$0x1]  }
0x2: {  	s3 =	rddreg [dreg:$0x2];
	s8 =	stileid.u32  }
0x3: {  	s0 =	srdreg.scid;
	s5 =	rddreg [dreg:$0x3]  }
0x4: {  	s4 =	rddreg [dreg:$0x4];
	s6 =	simm.s32 $0x0;
	s17 =	simm.s32 $0x2  }
0x5: {  	s18 =	simm.s32 $0x2;
	s28 =	simm.s32 $0x1;
	s29 =	simm.s32 $0x3  }
0x6: {  	s0 =	sand.u32 $0x1, s0;
	s1 =	sshll.u32 s8, $0x1;
	[smem:$0x7FF] =	sst s6  }
0x7: {  	s8 =	sshll.u32 s8, $0xC;
	s25 =	sadd.s32 $0x51AB8, s2;
	s26 =	sadd.s32 $0x51AB8, s3  }
0x8: {  	s13 =	sadd.s32 $0x51AB8, s5;
	s1 =	sor.u32 s0, s1;
	_ =	strace $0x80000047  }
0x9: {  	s8 =	sand.u32 $0xC000, s8;
	s0 =	ssub.s32 $0x2, s0;
	[dreg:$0x9] =	wrdreg s25  }
0xa: {  	[dreg:$0xa] =	wrdreg s26;
	s25 =	simm.s32 $0x10000;
	s26 =	simm.s32 $0x12000  }
0xb: {  	s7 =	smul.u32 $0x148, s1;
	s4 =	sadd.s32 s8, s4;
	s20 =	sshrl.u32 s0, $0x1  }
0xc: {  	s30 =	sshll.u32 s1, $0x4;
	s0 =	ssub.s32 s0, s20;
	s20 =	simm.s32 $0xA000  }
0xd: {  	s9 =	sadd.s32 $0x148, s7;
	s10 =	sshrl.u32 s7, $0x5;
	s16 =	smax.u32 s0, $0x1  }
0xe: {  	s0 =	simm.s32 $0x0;
	s19 =	sshrl.u32 s9, $0x5;
	s22 =	sshll.u32 s10, $0xA  }
0xf: {  	v0 =	vimm.s32 $0xFFEDCBA9;
	v1 =	vimm.s32 $0x87654321;
	s14 =	sadd.s32 $0x1, s10;
	s21 =	smin.u32 s19, $0x147;
	s23 =	sadd.s32 s2, s22  }
0x10: {  	v0 =	vunpack.c.l.s4.s8 v0;
	v1 =	vunpack.c.l.s4.s8 v1;
	s24 =	sadd.s32 s3, s22;
	s8 =	sadd.s32 s5, s22;
	[dreg:$0x6] =	wrdreg s23  }
0x11: {  	s19 =	simm.s32 $0x8000;
	s22 =	simm.s32 $0x4;
	[dreg:$0x7] =	wrdreg s24  }
.Ltmp0:
0x12: {  	v0 =	vunpack.c.0.s8.s32 v0;
	v1 =	vunpack.c.0.s8.s32 v1;
	s7 =	ssub.s32 s21, s10;
	[dreg:$0x8] =	wrdreg s8;
	(pc) =	sbr.rel .LBB2_1-.Ltmp0, $4  }
0x13: {  	vm0 =	vcmask $0x3F3C;
	vm2 =	vcmask $0x704;
	s8 =	sand.u32 $0x70, s30;
	s21 =	simm.s32 $0xC000;
	s23 =	simm.s32 $0x4000  }
0x14: {  	v4 =	vimm.s32 $0x0;
	vm2 =	vmor vm2, vm0;
	v0 =	vcombine.low v1, v0;
	s24 =	simm.s32 $0xE000;
	s31 =	sand.u32 $0x1, s7;
	s4 =	sadd.s32 s8, s4  }
0x15: {  	vm1 =	vmmov $0x7fff;
	v4 =	vsel vm2, $0xFFFFFFFF, v4;
	p1 =	slt.s32 s7, $0x1;
	p0 =	seq.s32 s31, $0x1;
	s15 =	sadd.s32 $0x800, s4  }
0x16: {  	v3 =	vlaneseq.u32;
	[tilespmem:$0x1FFF0] =	vst v4;
	v1 =	vimm.f32 $0.0e+00;
	v2 =	vand.u32 $0xF, v0;
	s4 =	simm.s32 $0x5;
	s17 =	simm.s32 @!p0 $0x1;
	p0 =	sne.s32 s1, $0x1F  }
.LBB2_16:
0x17: {  	s0 =	sadd.s32 $0x1, s0  }
0x18: {  	p2 =	sne.s32 s0, s16  }
.Ltmp1:
0x19: {  	s1 =	simm.s32 $0x80;
	s8 =	simm.s32 $0x400;
	(pc) =	sbr.rel @!p2 .LBB2_17-.Ltmp1, $4  }
0x1a: {  	[hbm4b:s15+s1] =	stream.strided.scatter [tilespmem:s23], [sflag:$0x5], $0x4000, s8, s1, $0x38;
	[tilespmem:$0x1A180] =	vst v63  }
0x1b: {  	_ =	swait.ge [sflag:s4], $0x4000  }
0x1c: {  	[sflag:s4] =	ssyncset.done $0x0  }
0x1d: {  	[sflag:s4] =	ssyncadd.s32 $0xFFFFC000  }
.LBB2_1:
0x1e: {  	s1 =	rddreg [dreg:$0x6]  }
0x1f: {  	[tilespmem:s19], [sflag:$0x1] =	stream.linear.gather [hbm4b:s1+s6], $0x2000, $0x38;
	[tilespmem:$0x1A180] =	vst v63  }
0x20: {  	s12 =	rddreg [dreg:$0x7]  }
0x21: {  	[tilespmem:s20], [sflag:$0x1] =	stream.linear.gather [hbm4b:s12+s6], $0x2000, $0x38;
	[tilespmem:$0x1A180] =	vst v63  }
0x22: {  	s30 =	rddreg [dreg:$0x8]  }
0x23: {  	[tilespmem:s21], [sflag:$0x1] =	stream.linear.gather [hbm4b:s30+s6], $0x2000, $0x38;
	[tilespmem:$0x1A180] =	vst v63  }
0x24: {  	s8 =	simm.s32 @!p0 $0x14000;
	s9 =	rddreg [dreg:$0x9];
	s1 =	simm.s32 @!p0 $0x0  }
0x25: {  	[tilespmem:s8], [sflag:$0x3] =	stream.linear.gather @!p0 [hbm4b:s9+s1], $0x2002, $0x38;
	[tilespmem:$0x1A180] =	vst v63  }
0x26: {  	s8 =	simm.s32 @!p0 $0x16080;
	s9 =	rddreg [dreg:$0xa]  }
0x27: {  	[tilespmem:s8], [sflag:$0x3] =	stream.linear.gather @!p0 [hbm4b:s9+s1], $0x2002, $0x38;
	[tilespmem:$0x1A180] =	vst v63  }
0x28: {  	s8 =	simm.s32 @!p0 $0x18100  }
0x29: {  	[tilespmem:s8], [sflag:$0x3] =	stream.linear.gather @!p0 [hbm4b:s13+s1], $0x2002, $0x38;
	[tilespmem:$0x1A180] =	vst v63  }
0x2a: {  	s31 =	rddreg [dreg:$0x0];
	s1 =	simm.s32 $0x4040  }
0x2b: {  	[tilespmem:s6], [sflag:$0x4] =	stream.linear.gather [hbm4b:s31+s6], $0x4000, $0x38;
	[tilespmem:$0x1A180] =	vst v63  }
0x2c: {  	[tilespmem:s1+$0xFFFFFFC0] =	vst v1  }
0x2d: {  	[tilespmem:s1+$0x30] =	vst v1  }
0x2e: {  	[tilespmem:s1+$0x20] =	vst v1  }
0x2f: {  	[tilespmem:s1+$0x10] =	vst v1  }
0x30: {  	[tilespmem:s1+$0x0] =	vst v1  }
0x31: {  	[tilespmem:s1+$0xFFFFFFF0] =	vst v1  }
0x32: {  	s8 =	simm.s32 $0x0;
	[tilespmem:s1+$0xFFFFFFE0] =	vst v1  }
.LBB2_2:
0x33: {  	s8 =	sadd.s32 $0x8, s8;
	[tilespmem:s1+$0xFFFFFFD0] =	vst v1;
	s1 =	sadd.s32 $0x80, s1  }
0x34: {  	[tilespmem:s1+$0xFFFFFFC0] =	vst v1;
	p2 =	slt.u32 s8, $0x3F8  }
0x35: {  	[tilespmem:s1+$0x30] =	vst v1  }
.Ltmp2:
0x36: {  	[tilespmem:s1+$0x20] =	vst v1;
	(pc) =	sbr.rel @p2 .LBB2_2-.Ltmp2, $4  }
0x37: {  	[tilespmem:s1+$0x10] =	vst v1  }
0x38: {  	[tilespmem:s1+$0x0] =	vst v1  }
0x39: {  	[tilespmem:s1+$0xFFFFFFF0] =	vst v1  }
0x3a: {  	[tilespmem:s1+$0xFFFFFFE0] =	vst v1  }
.Ltmp3:
0x3b: {  	(pc) =	sbr.rel @!p1 .LBB2_4-.Ltmp3, $4  }
0x3c: {  	[tilespmem:s1+$0xFFFFFFD0] =	vst v1  }
0x3d: {  	_ =	swait.ge [sflag:s22], $0x4000  }
0x3e: {  	[sflag:s22] =	ssyncset.done $0x0  }
0x3f: {  	s1 =	simm.s32 $0x0;
	[sflag:s22] =	ssyncadd.s32 $0xFFFFC000  }
.LBB2_12:
0x40: {  	_ =	swait.ge [sflag:s17], $0x2000  }
0x41: {  	[sflag:s17] =	ssyncset.done $0x0  }
0x42: {  	[sflag:s17] =	ssyncadd.s32 $0xFFFFE000  }
0x43: {  	_ =	swait.ge [sflag:s17], $0x2000  }
.Ltmp4:
0x44: {  	[sflag:s17] =	ssyncset.done $0x0;
	(pc) =	sbr.rel @p0 .LBB2_16-.Ltmp4, $4  }
0x45: {  	[sflag:s17] =	ssyncadd.s32 $0xFFFFE000  }
0x46: {  	_ =	swait.ge [sflag:s17], $0x2000  }
0x47: {  	[sflag:s17] =	ssyncset.done $0x0  }
0x48: {  	[sflag:s17] =	ssyncadd.s32 $0xFFFFE000  }
0x49: {  	_ =	swait.ge [sflag:s29], $0x2002  }
0x4a: {  	[sflag:s29] =	ssyncset.done $0x0  }
0x4b: {  	[sflag:s29] =	ssyncadd.s32 $0xFFFFDFFE  }
0x4c: {  	_ =	swait.ge [sflag:s29], $0x2002  }
0x4d: {  	[sflag:s29] =	ssyncset.done $0x0  }
0x4e: {  	[sflag:s29] =	ssyncadd.s32 $0xFFFFDFFE  }
0x4f: {  	_ =	swait.ge [sflag:s29], $0x2002  }
0x50: {  	[sflag:s29] =	ssyncset.done $0x0  }
0x51: {  	s1 =	simm.s32 $0x18120;
	[sflag:s29] =	ssyncadd.s32 $0xFFFFDFFE  }
0x52: {  	v4 =	vld [tilespmem:s1+$0x10];
	_ =	sdelay $0x1  }
0x53: {  	v6 =	vor.u32 $0xFFFFF5C0, v3;
	s8 =	simm.s32 $0x30  }
0x54: {  	v5 =	vadd.s32 s8, v6  }
0x55: {  	vm5 =	vlt.u32 v5, $0x15C2;
	v5 =	vld [tilespmem:s1+$0x0]  }
0x56: {  	v8 =	vld [tilespmem:s1+$0xFFFFFFF0];
	v4 =	vnsel vm5, $0x0, v4  }
0x57: {  	s31 =	simm.s32 $0x20;
	v7 =	vld [tilespmem:s1+$0xFFFFFFE0]  }
0x58: {  	s11 =	simm.s32 $0x10;
	v9 =	vadd.s32 s31, v6  }
0x59: {  	s9 =	simm.s32 $0x0;
	s10 =	simm.s32 $0x14020;
	v11 =	vadd.s32 s11, v6;
	vm2 =	vlt.u32 v9, $0x15C2  }
0x5a: {  	v10 =	vadd.s32 s9, v6;
	vm6 =	vlt.u32 v11, $0x15C2;
	v9 =	vld [tilespmem:s10+$0x10];
	v5 =	vnsel vm2, $0x0, v5  }
0x5b: {  	s12 =	simm.s32 $0x160A0;
	vm3 =	vlt.u32 v10, $0x15C2;
	v8 =	vnsel vm6, $0x0, v8;
	v10 =	vld.idx.msk [tilespmem:v4+s6+$0x0], $0xffff  }
0x5c: {  	v13 =	vld [tilespmem:s12+$0x10];
	v7 =	vnsel vm3, $0x0, v7;
	v4 =	vmul.u32 $0xFFFFFFFF, v3  }
0x5d: {  	s30 =	simm.s32 $0x60;
	v15 =	vmov s31;
	v16 =	vmov s11;
	s31 =	simm.s32 $0x50  }
0x5e: {  	v19 =	vadd.s32 s30, v6;
	v18 =	vmov s31;
	v11 =	vld [tilespmem:s10+$0xFFFFFFF0];
	v4 =	vadd.s32 $0x2001, v4  }
0x5f: {  	v26 =	vadd.s32 s31, v6;
	vm7 =	vmmov vm3;
	v17 =	vld.idx.msk [tilespmem:v5+s6+$0x0], $0xffff;
	vm4 =	vlt.u32 v15, v4  }
0x60: {  	vm12 =	vlt.u32 v26, $0x15C2;
	v8 =	vld.idx.msk [tilespmem:v8+s6+$0x0], $0xffff;
	vm4 =	vmand vm4, vm2;
	v5 =	vmul.f32 v10, v9  }
0x61: {  	v21 =	vperm.xlane v13, v2;
	v10 =	vld.idx.msk [tilespmem:v7+s6+$0x0], $0xffff;
	vm3 =	vmmov vm4;
	v7 =	vimm.s32 $0x0  }
0x62: {  	v14 =	vld [tilespmem:s10+$0x0];
	vm6 =	vmmov vm6;
	v7 =	vsel vm3, $0xFFFFFFFF, v7;
	v5 =	vnsel vm5, $0x0, v5  }
0x63: {  	v12 =	vld [tilespmem:s10+$0xFFFFFFE0];
	vm8 =	vlt.u32 v16, v4;
	[tilespmem:$0x1FFE0] =	vst v7;
	v7 =	vadd.s32 $0x1, v3;
	(xrf2) =	vadd.scan.msk.f32 $0xffff, v5  }
0x64: {  	v15 =	vmov s9;
	vm8 =	vmand vm8, vm6;
	v16 =	vadd.s32 s8, v7;
	v5 =	vld [tilespmem:s12+$0xFFFFFFF0]  }
0x65: {  	vm4 =	vmmov vm2;
	vm2 =	vne.s32 v13, v21;
	v9 =	vld [tilespmem:s12+$0xFFFFFFE0];
	vm3 =	veq.s32 v16, $0x2002  }
0x66: {  	s9 =	simm.s32 $0x18160;
	vm9 =	vlt.u32 v15, v4;
	v11 =	vmul.f32 v8, v11;
	v8 =	vld [tilespmem:s12+$0x0];
	vm2 =	vmor vm2, vm3  }
0x67: {  	v14 =	vmul.f32 v17, v14;
	v15 =	vld [tilespmem:s9+$0x10];
	vm10 =	vlt.u32 v16, $0x2002;
	vm2 =	vmor vm2, vm0  }
0x68: {  	v22 =	vnsel vm6, $0x0, v11;
	v11 =	vld [tilespmem:s9+$0x0];
	vm3 =	vmand vm5, vm2;
	vm2 =	vmand vm2, vm10  }
0x69: {  	s1 =	simm.s32 $0x40;
	vm11 =	vmand vm9, vm7;
	vm9 =	vlt.u32 v18, v4;
	v17 =	vld [tilespmem:s9+$0xFFFFFFF0];
	vm2 =	vmand vm2, vm5  }
0x6a: {  	s11 =	simm.s32 $0x14060;
	s10 =	simm.s32 $0x70;
	v24 =	vld [tilespmem:s9+$0xFFFFFFE0];
	v16 =	vadd.s32 s1, v6;
	v10 =	vmul.f32 v10, v12;
	vm15 =	vmand vm2, vm1  }
0x6b: {  	v20 =	vnsel vm4, $0x0, v14;
	v14 =	vadd.s32 s10, v6;
	v12 =	vld [tilespmem:s11+$0xFFFFFFE0];
	vm13 =	vlt.u32 v16, $0x15C2  }
0x6c: {  	v16 =	vld [tilespmem:s11+$0x0];
	v23 =	vnsel vm7, $0x0, v10;
	vm10 =	vlt.u32 v19, $0x15C2;
	vm5 =	vlt.u32 v14, $0x15C2  }
0x6d: {  	(xrf2) =	vadd.scan.msk.f32 $0xffff, v20;
	v10 =	vperm.xlane v5, v2;
	v14 =	vld [tilespmem:s11+$0xFFFFFFF0];
	v19 =	vnsel vm5, $0x0, v15;
	v15 =	vperm.xlane v9, v2;
	v25, _, _ =	vpop (xrf2)  }
0x6e: {  	s8 =	simm.s32 $0x160E0;
	v18 =	vnsel vm10, $0x0, v11;
	(xrf2) =	vadd.scan.msk.f32 $0xffff, v23;
	[tilespmem:v13+s23+$0x0] =	vst.idx.add.f32.msk vm3, v25;
	v25 =	vsub.f32 $0.0e+00, v25  }
0x6f: {  	v20 =	vnsel vm13, $0x0, v24;
	v11 =	vld [tilespmem:s8+$0x10];
	vm14 =	vne.s32 v5, v10;
	vm2 =	vne.s32 v9, v15  }
0x70: {  	s12 =	simm.s32 $0x4;
	(xrf2) =	vadd.scan.msk.f32 $0xffff, v22;
	v13 =	vperm.xlane v8, v2;
	vm3 =	vmor vm2, vm0;
	[tilespmem:v21+s23+$0x0] =	vst.idx.add.f32.msk vm15, v25  }
.LBB2_14:
0x71: {  	v21 =	vld [tilespmem:s11+$0x10];
	vm2 =	vmand vm11, vm2  }
0x72: {  	vm3 =	vmand vm7, vm3;
	vm15 =	vmor vm14, vm0;
	v25 =	vld [tilespmem:$0x1FFE0];
	vm11 =	vne.s32 v8, v13  }
0x73: {  	v19 =	vld.idx.msk [tilespmem:v19+s6+$0x0], $0xffff;
	vm8 =	vmand vm8, vm14;
	vm14 =	vmor vm11, vm0;
	v17 =	vnsel vm12, $0x0, v17  }
0x74: {  	v23 =	vmov s30;
	v18 =	vld.idx.msk [tilespmem:v18+s6+$0x0], $0xffff;
	vm14 =	vmand vm4, vm14  }
0x75: {  	vm7 =	vmmov vm13;
	v20 =	vld.idx.msk [tilespmem:v20+s6+$0x0], $0xffff;
	vm13 =	vlt.u32 v23, v4;
	vm15 =	vmand vm6, vm15  }
0x76: {  	v61 =	vld [tilespmem:s8+$0xFFFFFFE0];
	vm2 =	vmand vm2, vm1;
	vm13 =	vmand vm13, vm10  }
0x77: {  	v60 =	vimm.s32 $0x0;
	v62 =	vld [tilespmem:s8+$0xFFFFFFF0];
	vm6 =	vmmov vm13;
	vm4 =	vnez.u8 v25;
	v22, _, _ =	vpop (xrf2)  }
0x78: {  	vm13 =	vmand vm8, vm1;
	v63 =	vperm.xlane v11, v2;
	vm4 =	vmand vm4, vm11;
	v24, _, _ =	vpop (xrf2);
	v17 =	vld.idx.msk [tilespmem:v17+s6+$0x0], $0xffff  }
0x79: {  	v25 =	vsel vm6, $0xFFFFFFFF, v60;
	v19 =	vmul.f32 v19, v21;
	vm11 =	vmand vm4, vm1;
	[tilespmem:v9+s23+$0x0] =	vst.idx.add.f32.msk vm3, v24  }
0x7a: {  	vm6 =	vmmov vm12;
	v21 =	vmov s1;
	v26 =	vsub.f32 $0.0e+00, v24;
	v9, _, _ =	vpop (xrf2);
	[tilespmem:v8+s23+$0x0] =	vst.idx.add.f32.msk vm14, v22  }
0x7b: {  	v16 =	vmul.f32 v18, v16;
	v12 =	vmul.f32 v20, v12;
	v19 =	vnsel vm5, $0x0, v19;
	[tilespmem:v5+s23+$0x0] =	vst.idx.add.f32.msk vm15, v9  }
0x7c: {  	s9 =	sadd.s32 $0x40, s9;
	s1 =	sadd.s32 $0x40, s1;
	vm8 =	vmand vm9, vm6;
	(xrf2) =	vadd.scan.msk.f32 $0xffff, v19;
	[tilespmem:v15+s23+$0x0] =	vst.idx.add.f32.msk vm2, v26;
	v15 =	vsub.f32 $0.0e+00, v9  }
0x7d: {  	vm4 =	vmmov vm10;
	v23 =	vsub.f32 $0.0e+00, v22;
	v19 =	vadd.s32 s10, v7;
	s10 =	sadd.s32 $0x30, s1;
	v20 =	vld [tilespmem:s9+$0xFFFFFFE0]  }
0x7e: {  	vm3 =	vne.s32 v11, v63;
	vm9 =	veq.s32 v19, $0x2002;
	v18 =	vadd.s32 s10, v6;
	[tilespmem:v10+s23+$0x0] =	vst.idx.add.f32.msk vm13, v15  }
0x7f: {  	s31 =	sadd.s32 $0x10, s1;
	vm2 =	vlt.u32 v21, v4;
	vm3 =	vmor vm3, vm9;
	vm9 =	vlt.u32 v19, $0x2002;
	[tilespmem:v13+s23+$0x0] =	vst.idx.add.f32.msk vm11, v23  }
0x80: {  	v19 =	vmov s31;
	vm3 =	vmor vm3, vm0;
	v13 =	vnsel vm4, $0x0, v16;
	v15 =	vld [tilespmem:s9+$0x10]  }
0x81: {  	s30 =	sadd.s32 $0x20, s1;
	vm12 =	vmand vm5, vm3;
	vm11 =	vmand vm2, vm7;
	vm2 =	vmand vm3, vm9;
	v16 =	vld [tilespmem:s9+$0x0]  }
0x82: {  	v23 =	vadd.s32 s30, v6;
	vm9 =	vlt.u32 v19, v4;
	v8 =	vld [tilespmem:s8+$0x0];
	vm2 =	vmand vm2, vm5  }
0x83: {  	s12 =	sadd.s32 $0x4, s12;
	s11 =	sadd.s32 $0x40, s11;
	v10 =	vmul.f32 v17, v14;
	v14 =	vnsel vm7, $0x0, v12;
	v17 =	vld [tilespmem:s9+$0xFFFFFFF0];
	vm15 =	vmand vm2, vm1  }
0x84: {  	p2 =	slt.u32 s12, $0x1FC;
	v5 =	vmovc v62;
	(xrf2) =	vadd.scan.msk.f32 $0xffff, v13;
	v13 =	vadd.s32 s1, v6;
	v12 =	vld [tilespmem:s11+$0xFFFFFFE0];
	vm5 =	vlt.u32 v18, $0x15C2;
	vm10 =	vlt.u32 v23, $0x15C2  }
.Ltmp5:
0x85: {  	v9 =	vmovc v61;
	(xrf2) =	vadd.scan.msk.f32 $0xffff, v14;
	v14 =	vld [tilespmem:s11+$0xFFFFFFF0];
	vm13 =	vlt.u32 v13, $0x15C2;
	v21 =	vnsel vm6, $0x0, v10;
	v10 =	vperm.xlane v5, v2;
	(pc) =	sbr.rel @p2 .LBB2_14-.Ltmp5, $4  }
0x86: {  	v19 =	vnsel vm5, $0x0, v15;
	v15 =	vperm.xlane v9, v2;
	v22, _, _ =	vpop (xrf2);
	v18 =	vnsel vm10, $0x0, v16;
	v16 =	vld [tilespmem:s11+$0x0]  }
0x87: {  	v23 =	vadd.s32 s31, v6;
	s8 =	sadd.s32 $0x40, s8;
	v20 =	vnsel vm13, $0x0, v20;
	[tilespmem:v11+s23+$0x0] =	vst.idx.add.f32.msk vm12, v22;
	v22 =	vsub.f32 $0.0e+00, v22  }
0x88: {  	[tilespmem:$0x1FFE0] =	vst v25;
	vm14 =	vne.s32 v5, v10;
	v13 =	vperm.xlane v8, v2;
	vm2 =	vne.s32 v9, v15;
	v11 =	vld [tilespmem:s8+$0x10]  }
0x89: {  	(xrf2) =	vadd.scan.msk.f32 $0xffff, v21;
	vm12 =	vlt.u32 v23, $0x15C2;
	vm3 =	vmor vm2, vm0;
	[tilespmem:v63+s23+$0x0] =	vst.idx.add.f32.msk vm15, v22  }
0x8a: {  	_ = 	snop  }
0x8b: {  	v6 =	vnsel vm12, $0x0, v17;
	vm2 =	vmand vm11, vm2;
	vm15 =	vne.s32 v8, v13  }
0x8c: {  	v45 =	vld [tilespmem:s11+$0x10];
	vm11 =	vmand vm7, vm3;
	vm3 =	vmor vm14, vm0;
	v21 =	vmov s30  }
0x8d: {  	vm7 =	vmand vm8, vm14;
	vm8 =	vmmov vm13;
	v23 =	vld [tilespmem:$0x1FFE0];
	vm13 =	vlt.u32 v21, v4  }
0x8e: {  	v19 =	vld.idx.msk [tilespmem:v19+s6+$0x0], $0xffff;
	v46 =	vimm.s32 $0x0;
	v51 =	vmov s1;
	vm13 =	vmand vm13, vm10  }
0x8f: {  	v18 =	vld.idx.msk [tilespmem:v18+s6+$0x0], $0xffff;
	v7 =	vadd.s32 s10, v7;
	vm14 =	vmor vm15, vm0;
	v21 =	vsel vm13, $0xFFFFFFFF, v46  }
0x90: {  	v20 =	vld.idx.msk [tilespmem:v20+s6+$0x0], $0xffff;
	vm2 =	vmand vm2, vm1;
	vm14 =	vmand vm4, vm14;
	vm4 =	vmand vm7, vm1;
	[tilespmem:$0x1FFD0] =	vst v21  }
0x91: {  	vm10 =	vmmov vm10;
	vm13 =	vmand vm6, vm3;
	vm6 =	vmmov vm12;
	v6 =	vld.idx.msk [tilespmem:v6+s6+$0x0], $0xffff  }
0x92: {  	v24 =	vperm.xlane v11, v2;
	vm12 =	veq.s32 v7, $0x2002;
	v22, _, _ =	vpop (xrf2);
	vm3 =	vnez.u8 v23;
	v50 =	vld [tilespmem:s8+$0xFFFFFFE0]  }
0x93: {  	vm9 =	vmand vm9, vm6;
	v48, _, _ =	vpop (xrf2);
	v17 =	vmul.f32 v19, v45;
	v52 =	vld [tilespmem:s8+$0x0];
	vm3 =	vmand vm3, vm15  }
0x94: {  	v16 =	vmul.f32 v18, v16;
	v53 =	vld [tilespmem:s8+$0xFFFFFFF0];
	v49 =	vsub.f32 $0.0e+00, v48;
	vm3 =	vmand vm3, vm1  }
0x95: {  	v47 =	vsub.f32 $0.0e+00, v22;
	v12 =	vmul.f32 v20, v12;
	[tilespmem:v9+s23+$0x0] =	vst.idx.add.f32.msk vm11, v48;
	v17 =	vnsel vm5, $0x0, v17  }
0x96: {  	vm7 =	vne.s32 v11, v24;
	v16 =	vnsel vm10, $0x0, v16;
	(xrf2) =	vadd.scan.msk.f32 $0xffff, v17;
	[tilespmem:v15+s23+$0x0] =	vst.idx.add.f32.msk vm2, v49;
	v54, _, _ =	vpop (xrf2)  }
0x97: {  	v12 =	vnsel vm8, $0x0, v12;
	[tilespmem:v8+s23+$0x0] =	vst.idx.add.f32.msk vm14, v22;
	(xrf2) =	vadd.scan.msk.f32 $0xffff, v16;
	v55 =	vsub.f32 $0.0e+00, v54  }
0x98: {  	vm7 =	vmor vm7, vm12;
	v6 =	vmul.f32 v6, v14;
	(xrf2) =	vadd.scan.msk.f32 $0xffff, v12;
	[tilespmem:v5+s23+$0x0] =	vst.idx.add.f32.msk vm13, v54  }
0x99: {  	vm12 =	vlt.u32 v51, v4;
	vm15 =	vlt.u32 v7, $0x2002;
	vm7 =	vmor vm7, vm0;
	[tilespmem:v10+s23+$0x0] =	vst.idx.add.f32.msk vm4, v55  }
0x9a: {  	vm15 =	vmand vm7, vm15;
	v56 =	vperm.xlane v50, v2;
	v4 =	vnsel vm6, $0x0, v6;
	[tilespmem:v13+s23+$0x0] =	vst.idx.add.f32.msk vm3, v47  }
0x9b: {  	vm12 =	vmand vm12, vm8;
	vm7 =	vmand vm5, vm7;
	vm5 =	vmand vm15, vm5;
	(xrf2) =	vadd.scan.msk.f32 $0xffff, v4;
	v8 =	vld [tilespmem:$0x1FFD0]  }
0x9c: {  	v57 =	vperm.xlane v53, v2;
	vm15 =	vne.s32 v50, v56;
	v4 =	vperm.xlane v52, v2  }
0x9d: {  	vm2 =	vmand vm5, vm1;
	vm5 =	vmor vm15, vm0;
	vm11 =	vmand vm12, vm15  }
0x9e: {  	vm5 =	vmand vm8, vm5;
	vm8 =	vne.s32 v53, v57;
	vm12 =	vne.s32 v52, v4  }
0x9f: {  	vm11 =	vmand vm11, vm1;
	vm9 =	vmand vm9, vm8;
	vm13 =	vmor vm12, vm0  }
0xa0: {  	vm8 =	vmor vm8, vm0;
	vm15 =	vmand vm10, vm13;
	v5, _, _ =	vpop (xrf2);
	vm10 =	vnez.u8 v8  }
0xa1: {  	vm3 =	vmand vm6, vm8;
	v58 =	vsub.f32 $0.0e+00, v5;
	v59, _, _ =	vpop (xrf2);
	vm6 =	vmmov vm10  }
0xa2: {  	vm13 =	vmand vm9, vm1;
	[tilespmem:v11+s23+$0x0] =	vst.idx.add.f32.msk vm7, v5;
	v5, _, _ =	vpop (xrf2);
	vm6 =	vmand vm6, vm12  }
0xa3: {  	[tilespmem:v24+s23+$0x0] =	vst.idx.add.f32.msk vm2, v58;
	v60 =	vsub.f32 $0.0e+00, v5;
	vm2 =	vmand vm6, vm1  }
0xa4: {  	[tilespmem:v50+s23+$0x0] =	vst.idx.add.f32.msk vm5, v5  }
0xa5: {  	[tilespmem:v56+s23+$0x0] =	vst.idx.add.f32.msk vm11, v60;
	v5, _, _ =	vpop (xrf2)  }
0xa6: {  	[tilespmem:v52+s23+$0x0] =	vst.idx.add.f32.msk vm15, v59;
	v61 =	vsub.f32 $0.0e+00, v5  }
0xa7: {  	v62 =	vsub.f32 $0.0e+00, v59;
	[tilespmem:v53+s23+$0x0] =	vst.idx.add.f32.msk vm3, v5  }
0xa8: {  	[tilespmem:v57+s23+$0x0] =	vst.idx.add.f32.msk vm13, v61  }
0xa9: {  	[tilespmem:v4+s23+$0x0] =	vst.idx.add.f32.msk vm2, v62  }
0xaa: {  	v4 =	vld [tilespmem:$0x1A100];
	_ =	sdelay $0x3  }
0xab: {  	vm2 =	vmmov $0x3  }
0xac: {  	v4 =	vnsel vm2, $0x0, v4;
	_ =	sdelay $0x3  }
0xad: {  	v5 =	vld [tilespmem:$0x16000]  }
0xae: {  	v4 =	vld.idx.msk [tilespmem:v4+s6+$0x0], $0xffff;
	_ =	sdelay $0x4  }
0xaf: {  	v6 =	vld [tilespmem:$0x18080];
	v4 =	vmul.f32 v4, v5;
	_ =	sdelay $0x1  }
0xb0: {  	v5 =	vld [tilespmem:$0x1FFF0];
	v4 =	vnsel vm2, $0x0, v4  }
0xb1: {  	(xrf2) =	vadd.scan.msk.f32 $0xffff, v4;
	_ =	sdelay $0x1  }
0xb2: {  	v4 =	vperm.xlane v6, v0;
	_ =	sdelay $0x1  }
0xb3: {  	vm3 =	vne.s32 v6, v4;
	vm14 =	vnez.u8 v5  }
0xb4: {  	vm4 =	vmor vm3, vm14  }
0xb5: {  	vm15 =	vmmov $0x1;
	vm2 =	vmand vm4, vm2  }
0xb6: {  	vm3 =	vmand vm3, vm15;
	_ =	sdelay $0x1  }
.Ltmp6:
0xb7: {  	_ = 	snop;
	(pc) =	sbr.rel .LBB2_16-.Ltmp6, $4  }
0xb8: {  	v5, _, _ =	vpop (xrf2)  }
0xb9: {  	v63 =	vsub.f32 $0.0e+00, v5  }
0xba: {  	[tilespmem:v6+s23+$0x0] =	vst.idx.add.f32.msk vm2, v5  }
0xbb: {  	[tilespmem:v4+s23+$0x0] =	vst.idx.add.f32.msk vm3, v63  }
.LBB2_11:
0xbc: {  	s1 =	sadd.s32 $0x1, s1  }
0xbd: {  	p2 =	slt.s32 s1, s7  }
.Ltmp7:
0xbe: {  	_ = 	snop;
	(pc) =	sbr.rel @!p2 .LBB2_12-.Ltmp7, $1  }
0xbf: {  	_ =	sdelay $0x3  }
.LBB2_4:
0xc0: {  	s8 =	sadd.s32 s1, s14  }
0xc1: {  	s9 =	sand.u32 $0x1, s1;
	p2 =	slt.s32 s8, $0x146  }
0xc2: {  	s8 =	simm.s32 @!p2 $0x146;
	p2 =	seq.s32 s9, $0x0  }
.Ltmp8:
0xc3: {  	_ = 	snop;
	(pc) =	sbr.rel @!p2 .LBB2_8-.Ltmp8, $3  }
0xc4: {  	_ =	sdelay $0x1  }
0xc5: {  	s10 =	sshll.u32 s8, $0xA  }
0xc6: {  	s30 =	sadd.s32 s2, s10;
	s8 =	sadd.s32 s3, s10;
	s31 =	sadd.s32 s5, s10  }
0xc7: {  	[tilespmem:s24], [sflag:$0x2] =	stream.linear.gather [hbm4b:s30+s6], $0x2000, $0x38;
	[tilespmem:$0x1A180] =	vst v63  }
0xc8: {  	_ = 	snop  }
0xc9: {  	[tilespmem:s25], [sflag:$0x2] =	stream.linear.gather [hbm4b:s8+s6], $0x2000, $0x38;
	[tilespmem:$0x1A180] =	vst v63  }
0xca: {  	_ = 	snop  }
0xcb: {  	[tilespmem:s26], [sflag:$0x2] =	stream.linear.gather [hbm4b:s31+s6], $0x2000, $0x38;
	[tilespmem:$0x1A180] =	vst v63  }
0xcc: {  	_ =	swait.ge [sflag:s28], $0x2000  }
0xcd: {  	[sflag:s28] =	ssyncset.done $0x0  }
0xce: {  	[sflag:s28] =	ssyncadd.s32 $0xFFFFE000  }
0xcf: {  	_ =	swait.ge [sflag:s28], $0x2000  }
0xd0: {  	[sflag:s28] =	ssyncset.done $0x0  }
0xd1: {  	[sflag:s28] =	ssyncadd.s32 $0xFFFFE000  }
0xd2: {  	_ =	swait.ge [sflag:s28], $0x2000  }
0xd3: {  	[sflag:s28] =	ssyncset.done $0x0  }
0xd4: {  	s9 =	simm.s32 $0xC040;
	[sflag:s28] =	ssyncadd.s32 $0xFFFFE000  }
0xd5: {  	s11 =	simm.s32 $0x8040;
	v4 =	vld [tilespmem:s9+$0xFFFFFFE0]  }
0xd6: {  	s10 =	simm.s32 $0xA040;
	v10 =	vld [tilespmem:s11+$0x30]  }
0xd7: {  	v6 =	vld [tilespmem:s10+$0xFFFFFFE0]  }
0xd8: {  	v11 =	vld [tilespmem:s11+$0xFFFFFFC0]  }
0xd9: {  	v13 =	vld [tilespmem:s11+$0xFFFFFFD0]  }
0xda: {  	v7 =	vld [tilespmem:s11+$0x0]  }
0xdb: {  	v5 =	vld [tilespmem:s11+$0xFFFFFFE0]  }
0xdc: {  	v8 =	vld [tilespmem:s9+$0xFFFFFFC0]  }
0xdd: {  	v9 =	vld [tilespmem:s9+$0xFFFFFFD0]  }
0xde: {  	v12 =	vld [tilespmem:s9+$0x0]  }
0xdf: {  	v14 =	vld [tilespmem:s9+$0x10]  }
0xe0: {  	v4 =	vld.idx.msk [tilespmem:v4+s6+$0x0], $0xffff  }
0xe1: {  	v15 =	vld [tilespmem:s9+$0x20]  }
0xe2: {  	v16 =	vld [tilespmem:s9+$0x30]  }
0xe3: {  	v17 =	vld [tilespmem:s11+$0x10]  }
0xe4: {  	v18 =	vld [tilespmem:s11+$0x20]  }
0xe5: {  	v19 =	vld [tilespmem:s11+$0xFFFFFFF0];
	v4 =	vmul.f32 v4, v5  }
0xe6: {  	v21 =	vld.idx.msk [tilespmem:v9+s6+$0x0], $0xffff  }
0xe7: {  	v9 =	vld.idx.msk [tilespmem:v12+s6+$0x0], $0xffff;
	(xrf2) =	vadd.scan.msk.f32 $0xffff, v4  }
0xe8: {  	v24 =	vld [tilespmem:s9+$0xFFFFFFF0]  }
0xe9: {  	v20 =	vld.idx.msk [tilespmem:v8+s6+$0x0], $0xffff;
	v4 =	vperm.xlane v6, v2  }
0xea: {  	v12 =	vld.idx.msk [tilespmem:v15+s6+$0x0], $0xffff  }
0xeb: {  	v22 =	vld.idx.msk [tilespmem:v14+s6+$0x0], $0xffff;
	vm3 =	vne.s32 v6, v4  }
0xec: {  	v23 =	vld.idx.msk [tilespmem:v16+s6+$0x0], $0xffff;
	v7 =	vmul.f32 v9, v7;
	vm2 =	vmor vm3, vm0  }
0xed: {  	v15 =	vld [tilespmem:s10+$0x0]  }
0xee: {  	v5 =	vld [tilespmem:s10+$0xFFFFFFD0];
	(xrf2) =	vadd.scan.msk.f32 $0xffff, v7  }
0xef: {  	v8 =	vld [tilespmem:s10+$0xFFFFFFC0];
	v16 =	vmul.f32 v12, v18  }
0xf0: {  	v9 =	vld [tilespmem:s10+$0x30]  }
0xf1: {  	v12 =	vld [tilespmem:s10+$0xFFFFFFF0];
	v14, _, _ =	vpop (xrf2);
	(xrf2) =	vadd.scan.msk.f32 $0xffff, v16  }
0xf2: {  	v22 =	vmul.f32 v22, v17;
	[tilespmem:v6+s23+$0x0] =	vst.idx.add.f32.msk vm2, v14;
	v6 =	vperm.xlane v15, v2  }
0xf3: {  	v17 =	vld [tilespmem:s10+$0x10];
	v7 =	vperm.xlane v5, v2  }
0xf4: {  	v18 =	vmul.f32 v21, v13;
	v13 =	vmul.f32 v20, v11;
	v16 =	vld [tilespmem:s10+$0x20];
	(xrf2) =	vadd.scan.msk.f32 $0xffff, v22;
	vm5 =	vne.s32 v15, v6  }
0xf5: {  	s12 =	simm.s32 $0x80C0;
	s11 =	simm.s32 $0x0;
	v20 =	vmul.f32 v23, v10;
	v21 =	vld.idx.msk [tilespmem:v24+s6+$0x0], $0xffff;
	vm4 =	vne.s32 v5, v7;
	vm6 =	vmor vm5, vm0  }
.LBB2_6:
0xf6: {  	v11 =	vld [tilespmem:s12+$0x30];
	s11 =	sadd.s32 $0x8, s11;
	s10 =	sadd.s32 $0x80, s10;
	s9 =	sadd.s32 $0x80, s9  }
0xf7: {  	v10 =	vld [tilespmem:s10+$0xFFFFFFE0];
	p3 =	slt.u32 s11, $0x1F8  }
0xf8: {  	v23 =	vperm.xlane v17, v2;
	v22 =	vld [tilespmem:s12+$0xFFFFFFC0];
	v24, _, _ =	vpop (xrf2);
	(xrf2) =	vadd.scan.msk.f32 $0xffff, v20  }
0xf9: {  	v20 =	vld [tilespmem:s12+$0xFFFFFFD0];
	v25 =	vperm.xlane v16, v2  }
0xfa: {  	vm8 =	vne.s32 v17, v23;
	v26 =	vld [tilespmem:s12+$0x0]  }
0xfb: {  	v28 =	vmul.f32 v21, v19;
	vm2 =	vmor vm8, vm0;
	v27 =	vld [tilespmem:s12+$0xFFFFFFE0];
	vm7 =	vne.s32 v16, v25;
	(xrf2) =	vadd.scan.msk.f32 $0xffff, v18;
	v18, _, _ =	vpop (xrf2)  }
0xfc: {  	v21 =	vld [tilespmem:s12+$0x10]  }
0xfd: {  	[tilespmem:v15+s23+$0x0] =	vst.idx.add.f32.msk vm6, v24  }
0xfe: {  	v14 =	vsub.f32 $0.0e+00, v14;
	v15 =	vld [tilespmem:s9+$0xFFFFFFC0];
	(xrf2) =	vadd.scan.msk.f32 $0xffff, v28;
	v19, _, _ =	vpop (xrf2)  }
0xff: {  	v28 =	vld [tilespmem:s9+$0xFFFFFFD0]  }
0x100: {  	v30 =	vperm.xlane v12, v2;
	v29 =	vld [tilespmem:s9+$0x10]  }
0x101: {  	[tilespmem:v17+s23+$0x0] =	vst.idx.add.f32.msk vm2, v19;
	vm2 =	vmor vm7, vm0;
	v17 =	vperm.xlane v9, v2  }
0x102: {  	vm6 =	vne.s32 v12, v30;
	v31 =	vld [tilespmem:s9+$0xFFFFFFE0];
	v32, _, _ =	vpop (xrf2)  }
0x103: {  	vm9 =	vmor vm6, vm0;
	v33 =	vld [tilespmem:s12+$0x20];
	vm10 =	vne.s32 v9, v17;
	(xrf2) =	vadd.scan.msk.f32 $0xffff, v13  }
0x104: {  	v19 =	vsub.f32 $0.0e+00, v19;
	v13 =	vld [tilespmem:s9+$0x0];
	vm11 =	vmor vm10, vm0  }
0x105: {  	v35 =	vperm.xlane v8, v2;
	vm5 =	vmand vm5, vm1;
	vm6 =	vmand vm6, vm1;
	v34 =	vld [tilespmem:s9+$0x20];
	v36, _, _ =	vpop (xrf2)  }
0x106: {  	v15 =	vld.idx.msk [tilespmem:v15+s6+$0x0], $0xffff  }
0x107: {  	vm12 =	vne.s32 v8, v35;
	vm8 =	vmand vm8, vm1;
	v24 =	vsub.f32 $0.0e+00, v24;
	[tilespmem:v16+s23+$0x0] =	vst.idx.add.f32.msk vm2, v18  }
0x108: {  	vm2 =	vmor vm12, vm0;
	v16 =	vld.idx.msk [tilespmem:v28+s6+$0x0], $0xffff;
	v28, _, _ =	vpop (xrf2)  }
0x109: {  	[tilespmem:v12+s23+$0x0] =	vst.idx.add.f32.msk vm9, v28;
	v12 =	vsub.f32 $0.0e+00, v28  }
0x10a: {  	vm7 =	vmand vm7, vm1;
	[tilespmem:v9+s23+$0x0] =	vst.idx.add.f32.msk vm11, v32  }
0x10b: {  	[tilespmem:v30+s23+$0x0] =	vst.idx.add.f32.msk vm6, v12;
	vm6 =	vmand vm10, vm1  }
0x10c: {  	v12 =	vsub.f32 $0.0e+00, v18;
	v9 =	vld.idx.msk [tilespmem:v13+s6+$0x0], $0xffff  }
0x10d: {  	v13 =	vsub.f32 $0.0e+00, v32;
	[tilespmem:v23+s23+$0x0] =	vst.idx.add.f32.msk vm8, v19;
	v18, _, _ =	vpop (xrf2)  }
0x10e: {  	[tilespmem:v8+s23+$0x0] =	vst.idx.add.f32.msk vm2, v18;
	vm2 =	vmand vm3, vm1  }
0x10f: {  	vm3 =	vmor vm4, vm0;
	v8 =	vld.idx.msk [tilespmem:v31+s6+$0x0], $0xffff  }
0x110: {  	vm8 =	vmand vm12, vm1;
	vm4 =	vmand vm4, vm1;
	[tilespmem:v25+s23+$0x0] =	vst.idx.add.f32.msk vm7, v12  }
0x111: {  	[tilespmem:v17+s23+$0x0] =	vst.idx.add.f32.msk vm6, v13  }
0x112: {  	v12 =	vld [tilespmem:s9+$0x30]  }
0x113: {  	v17 =	vsub.f32 $0.0e+00, v18;
	[tilespmem:v6+s23+$0x0] =	vst.idx.add.f32.msk vm5, v24  }
0x114: {  	v6 =	vsub.f32 $0.0e+00, v36;
	[tilespmem:v4+s23+$0x0] =	vst.idx.add.f32.msk vm2, v14  }
0x115: {  	v4 =	vmul.f32 v8, v27;
	[tilespmem:v5+s23+$0x0] =	vst.idx.add.f32.msk vm3, v36  }
0x116: {  	v18 =	vmul.f32 v16, v20;
	[tilespmem:v7+s23+$0x0] =	vst.idx.add.f32.msk vm4, v6  }
0x117: {  	v13 =	vmul.f32 v15, v22;
	[tilespmem:v35+s23+$0x0] =	vst.idx.add.f32.msk vm8, v17  }
0x118: {  	v6 =	vld.idx.msk [tilespmem:v29+s6+$0x0], $0xffff;
	(xrf2) =	vadd.scan.msk.f32 $0xffff, v4  }
0x119: {  	v7 =	vld.idx.msk [tilespmem:v34+s6+$0x0], $0xffff  }
0x11a: {  	v8 =	vmul.f32 v9, v26;
	v4 =	vperm.xlane v10, v2;
	v12 =	vld.idx.msk [tilespmem:v12+s6+$0x0], $0xffff  }
0x11b: {  	v15 =	vld [tilespmem:s10+$0x0]  }
0x11c: {  	vm3 =	vne.s32 v10, v4;
	v19 =	vld [tilespmem:s12+$0xFFFFFFF0]  }
0x11d: {  	vm2 =	vmor vm3, vm0;
	v22 =	vld [tilespmem:s9+$0xFFFFFFF0]  }
0x11e: {  	v21 =	vmul.f32 v6, v21;
	v5 =	vld [tilespmem:s10+$0xFFFFFFD0];
	(xrf2) =	vadd.scan.msk.f32 $0xffff, v8  }
0x11f: {  	v7 =	vmul.f32 v7, v33;
	v8 =	vld [tilespmem:s10+$0xFFFFFFC0]  }
0x120: {  	v20 =	vmul.f32 v12, v11;
	v6 =	vperm.xlane v15, v2;
	v9 =	vld [tilespmem:s10+$0x30]  }
.Ltmp9:
0x121: {  	v12 =	vld [tilespmem:s10+$0xFFFFFFF0];
	(xrf2) =	vadd.scan.msk.f32 $0xffff, v7;
	(pc) =	sbr.rel @p3 .LBB2_6-.Ltmp9, $4  }
0x122: {  	vm5 =	vne.s32 v15, v6;
	v17 =	vld [tilespmem:s10+$0x10];
	v14, _, _ =	vpop (xrf2)  }
0x123: {  	v7 =	vperm.xlane v5, v2;
	[tilespmem:v10+s23+$0x0] =	vst.idx.add.f32.msk vm2, v14;
	vm6 =	vmor vm5, vm0  }
0x124: {  	v16 =	vld [tilespmem:s10+$0x20];
	(xrf2) =	vadd.scan.msk.f32 $0xffff, v21  }
0x125: {  	s12 =	sadd.s32 $0x80, s12;
	vm4 =	vne.s32 v5, v7;
	v21 =	vld.idx.msk [tilespmem:v22+s6+$0x0], $0xffff  }
0x126: {  	_ =	sdelay $0x2  }
0x127: {  	(xrf2) =	vadd.scan.msk.f32 $0xffff, v20  }
0x128: {  	v11 =	vperm.xlane v17, v2;
	v10 =	vmul.f32 v21, v19  }
0x129: {  	v49 =	vperm.xlane v9, v2;
	vm5 =	vmand vm5, vm1;
	(xrf2) =	vadd.scan.msk.f32 $0xffff, v18  }
0x12a: {  	vm3 =	vmand vm3, vm1;
	vm2 =	vne.s32 v17, v11;
	(xrf2) =	vadd.scan.msk.f32 $0xffff, v10  }
0x12b: {  	vm12 =	vne.s32 v9, v49;
	v47 =	vperm.xlane v16, v2;
	vm7 =	vmor vm2, vm0;
	(xrf2) =	vadd.scan.msk.f32 $0xffff, v13  }
0x12c: {  	v52 =	vperm.xlane v8, v2;
	v50, _, _ =	vpop (xrf2);
	vm13 =	vmor vm12, vm0  }
0x12d: {  	v61 =	vsub.f32 $0.0e+00, v50;
	vm2 =	vmand vm2, vm1;
	vm8 =	vne.s32 v16, v47  }
0x12e: {  	v62 =	vsub.f32 $0.0e+00, v14;
	[tilespmem:v15+s23+$0x0] =	vst.idx.add.f32.msk vm6, v50;
	vm9 =	vmor vm8, vm0  }
0x12f: {  	v48 =	vperm.xlane v12, v2;
	vm6 =	vne.s32 v8, v52;
	v51, _, _ =	vpop (xrf2);
	vm8 =	vmand vm8, vm1;
	[tilespmem:v6+s23+$0x0] =	vst.idx.add.f32.msk vm5, v61  }
0x130: {  	vm15 =	vmor vm6, vm0;
	[tilespmem:v4+s23+$0x0] =	vst.idx.add.f32.msk vm3, v62;
	v22, _, _ =	vpop (xrf2)  }
0x131: {  	vm10 =	vne.s32 v12, v48;
	vm14 =	vmand vm12, vm1;
	v57 =	vsub.f32 $0.0e+00, v22;
	v53, _, _ =	vpop (xrf2);
	[tilespmem:v17+s23+$0x0] =	vst.idx.add.f32.msk vm7, v22  }
0x132: {  	vm11 =	vmor vm10, vm0;
	[tilespmem:v9+s23+$0x0] =	vst.idx.add.f32.msk vm13, v53  }
0x133: {  	v58 =	vsub.f32 $0.0e+00, v51;
	v54, _, _ =	vpop (xrf2);
	[tilespmem:v11+s23+$0x0] =	vst.idx.add.f32.msk vm2, v57;
	vm2 =	vmor vm4, vm0  }
0x134: {  	vm10 =	vmand vm10, vm1;
	[tilespmem:v16+s23+$0x0] =	vst.idx.add.f32.msk vm9, v51;
	v55, _, _ =	vpop (xrf2)  }
0x135: {  	vm6 =	vmand vm6, vm1;
	v60 =	vsub.f32 $0.0e+00, v53;
	[tilespmem:v47+s23+$0x0] =	vst.idx.add.f32.msk vm8, v58;
	v59, _, _ =	vpop (xrf2)  }
0x136: {  	[tilespmem:v8+s23+$0x0] =	vst.idx.add.f32.msk vm15, v59;
	vm15 =	vmand vm4, vm1  }
0x137: {  	[tilespmem:v49+s23+$0x0] =	vst.idx.add.f32.msk vm14, v60  }
.Ltmp10:
0x138: {  	[tilespmem:v12+s23+$0x0] =	vst.idx.add.f32.msk vm11, v55;
	v56 =	vsub.f32 $0.0e+00, v55;
	(pc) =	sbr.rel @p2 .LBB2_11-.Ltmp10, $4  }
0x139: {  	[tilespmem:v5+s23+$0x0] =	vst.idx.add.f32.msk vm2, v54;
	v4 =	vsub.f32 $0.0e+00, v59  }
0x13a: {  	v63 =	vsub.f32 $0.0e+00, v54;
	[tilespmem:v48+s23+$0x0] =	vst.idx.add.f32.msk vm10, v56  }
0x13b: {  	[tilespmem:v52+s23+$0x0] =	vst.idx.add.f32.msk vm6, v4  }
0x13c: {  	[tilespmem:v7+s23+$0x0] =	vst.idx.add.f32.msk vm15, v63  }
.LBB2_8:
0x13d: {  	[tilespmem:s19], [sflag:$0x1] =	stream.linear.gather [hbm4b:s30+s6], $0x2000, $0x38;
	[tilespmem:$0x1A180] =	vst v63  }
0x13e: {  	_ = 	snop  }
0x13f: {  	[tilespmem:s20], [sflag:$0x1] =	stream.linear.gather [hbm4b:s8+s6], $0x2000, $0x38;
	[tilespmem:$0x1A180] =	vst v63  }
0x140: {  	_ = 	snop  }
0x141: {  	[tilespmem:s21], [sflag:$0x1] =	stream.linear.gather [hbm4b:s31+s6], $0x2000, $0x38;
	[tilespmem:$0x1A180] =	vst v63  }
0x142: {  	_ =	swait.ge [sflag:s18], $0x2000  }
0x143: {  	[sflag:s18] =	ssyncset.done $0x0  }
0x144: {  	[sflag:s18] =	ssyncadd.s32 $0xFFFFE000  }
0x145: {  	_ =	swait.ge [sflag:s18], $0x2000  }
0x146: {  	[sflag:s18] =	ssyncset.done $0x0  }
0x147: {  	[sflag:s18] =	ssyncadd.s32 $0xFFFFE000  }
0x148: {  	_ =	swait.ge [sflag:s18], $0x2000  }
0x149: {  	[sflag:s18] =	ssyncset.done $0x0  }
0x14a: {  	s8 =	simm.s32 $0x12040;
	[sflag:s18] =	ssyncadd.s32 $0xFFFFE000  }
0x14b: {  	s10 =	simm.s32 $0xE040;
	v4 =	vld [tilespmem:s8+$0xFFFFFFE0]  }
0x14c: {  	s9 =	simm.s32 $0x10040;
	v10 =	vld [tilespmem:s10+$0x30]  }
0x14d: {  	v6 =	vld [tilespmem:s9+$0xFFFFFFE0]  }
0x14e: {  	v11 =	vld [tilespmem:s10+$0xFFFFFFC0]  }
0x14f: {  	v13 =	vld [tilespmem:s10+$0xFFFFFFD0]  }
0x150: {  	v7 =	vld [tilespmem:s10+$0x0]  }
0x151: {  	v5 =	vld [tilespmem:s10+$0xFFFFFFE0]  }
0x152: {  	v8 =	vld [tilespmem:s8+$0xFFFFFFC0]  }
0x153: {  	v9 =	vld [tilespmem:s8+$0xFFFFFFD0]  }
0x154: {  	v12 =	vld [tilespmem:s8+$0x0]  }
0x155: {  	v14 =	vld [tilespmem:s8+$0x10]  }
0x156: {  	v4 =	vld.idx.msk [tilespmem:v4+s6+$0x0], $0xffff  }
0x157: {  	v15 =	vld [tilespmem:s8+$0x20]  }
0x158: {  	v16 =	vld [tilespmem:s8+$0x30]  }
0x159: {  	v17 =	vld [tilespmem:s10+$0x10]  }
0x15a: {  	v18 =	vld [tilespmem:s10+$0x20]  }
0x15b: {  	v19 =	vld [tilespmem:s10+$0xFFFFFFF0];
	v4 =	vmul.f32 v4, v5  }
0x15c: {  	v21 =	vld.idx.msk [tilespmem:v9+s6+$0x0], $0xffff  }
0x15d: {  	v9 =	vld.idx.msk [tilespmem:v12+s6+$0x0], $0xffff;
	(xrf2) =	vadd.scan.msk.f32 $0xffff, v4  }
0x15e: {  	v24 =	vld [tilespmem:s8+$0xFFFFFFF0]  }
0x15f: {  	v20 =	vld.idx.msk [tilespmem:v8+s6+$0x0], $0xffff;
	v4 =	vperm.xlane v6, v2  }
0x160: {  	v12 =	vld.idx.msk [tilespmem:v15+s6+$0x0], $0xffff  }
0x161: {  	v22 =	vld.idx.msk [tilespmem:v14+s6+$0x0], $0xffff;
	vm3 =	vne.s32 v6, v4  }
0x162: {  	v23 =	vld.idx.msk [tilespmem:v16+s6+$0x0], $0xffff;
	v7 =	vmul.f32 v9, v7;
	vm2 =	vmor vm3, vm0  }
0x163: {  	v15 =	vld [tilespmem:s9+$0x0]  }
0x164: {  	v5 =	vld [tilespmem:s9+$0xFFFFFFD0];
	(xrf2) =	vadd.scan.msk.f32 $0xffff, v7  }
0x165: {  	v8 =	vld [tilespmem:s9+$0xFFFFFFC0];
	v16 =	vmul.f32 v12, v18  }
0x166: {  	v9 =	vld [tilespmem:s9+$0x30]  }
0x167: {  	v12 =	vld [tilespmem:s9+$0xFFFFFFF0];
	v14, _, _ =	vpop (xrf2);
	(xrf2) =	vadd.scan.msk.f32 $0xffff, v16  }
0x168: {  	v22 =	vmul.f32 v22, v17;
	[tilespmem:v6+s23+$0x0] =	vst.idx.add.f32.msk vm2, v14;
	v6 =	vperm.xlane v15, v2  }
0x169: {  	v17 =	vld [tilespmem:s9+$0x10];
	v7 =	vperm.xlane v5, v2  }
0x16a: {  	v18 =	vmul.f32 v21, v13;
	v13 =	vmul.f32 v20, v11;
	v16 =	vld [tilespmem:s9+$0x20];
	(xrf2) =	vadd.scan.msk.f32 $0xffff, v22;
	vm5 =	vne.s32 v15, v6  }
0x16b: {  	s11 =	simm.s32 $0xE0C0;
	s10 =	simm.s32 $0x0;
	v20 =	vmul.f32 v23, v10;
	v21 =	vld.idx.msk [tilespmem:v24+s6+$0x0], $0xffff;
	vm4 =	vne.s32 v5, v7;
	vm6 =	vmor vm5, vm0  }
.LBB2_9:
0x16c: {  	v11 =	vld [tilespmem:s11+$0x30];
	s10 =	sadd.s32 $0x8, s10;
	s9 =	sadd.s32 $0x80, s9;
	s8 =	sadd.s32 $0x80, s8  }
0x16d: {  	v10 =	vld [tilespmem:s9+$0xFFFFFFE0];
	p2 =	slt.u32 s10, $0x1F8  }
0x16e: {  	v23 =	vperm.xlane v17, v2;
	v22 =	vld [tilespmem:s11+$0xFFFFFFC0];
	v24, _, _ =	vpop (xrf2);
	(xrf2) =	vadd.scan.msk.f32 $0xffff, v20  }
0x16f: {  	v20 =	vld [tilespmem:s11+$0xFFFFFFD0];
	v25 =	vperm.xlane v16, v2  }
0x170: {  	vm8 =	vne.s32 v17, v23;
	v26 =	vld [tilespmem:s11+$0x0]  }
0x171: {  	v28 =	vmul.f32 v21, v19;
	vm2 =	vmor vm8, vm0;
	v27 =	vld [tilespmem:s11+$0xFFFFFFE0];
	vm7 =	vne.s32 v16, v25;
	(xrf2) =	vadd.scan.msk.f32 $0xffff, v18;
	v18, _, _ =	vpop (xrf2)  }
0x172: {  	v21 =	vld [tilespmem:s11+$0x10]  }
0x173: {  	[tilespmem:v15+s23+$0x0] =	vst.idx.add.f32.msk vm6, v24  }
0x174: {  	v14 =	vsub.f32 $0.0e+00, v14;
	v15 =	vld [tilespmem:s8+$0xFFFFFFC0];
	(xrf2) =	vadd.scan.msk.f32 $0xffff, v28;
	v19, _, _ =	vpop (xrf2)  }
0x175: {  	v28 =	vld [tilespmem:s8+$0xFFFFFFD0]  }
0x176: {  	v30 =	vperm.xlane v12, v2;
	v29 =	vld [tilespmem:s8+$0x10]  }
0x177: {  	[tilespmem:v17+s23+$0x0] =	vst.idx.add.f32.msk vm2, v19;
	vm2 =	vmor vm7, vm0;
	v17 =	vperm.xlane v9, v2  }
0x178: {  	vm6 =	vne.s32 v12, v30;
	v31 =	vld [tilespmem:s8+$0xFFFFFFE0];
	v32, _, _ =	vpop (xrf2)  }
0x179: {  	vm9 =	vmor vm6, vm0;
	v33 =	vld [tilespmem:s11+$0x20];
	vm10 =	vne.s32 v9, v17;
	(xrf2) =	vadd.scan.msk.f32 $0xffff, v13  }
0x17a: {  	v19 =	vsub.f32 $0.0e+00, v19;
	v13 =	vld [tilespmem:s8+$0x0];
	vm11 =	vmor vm10, vm0  }
0x17b: {  	v35 =	vperm.xlane v8, v2;
	vm5 =	vmand vm5, vm1;
	vm6 =	vmand vm6, vm1;
	v34 =	vld [tilespmem:s8+$0x20];
	v36, _, _ =	vpop (xrf2)  }
0x17c: {  	v15 =	vld.idx.msk [tilespmem:v15+s6+$0x0], $0xffff  }
0x17d: {  	vm12 =	vne.s32 v8, v35;
	vm8 =	vmand vm8, vm1;
	v24 =	vsub.f32 $0.0e+00, v24;
	[tilespmem:v16+s23+$0x0] =	vst.idx.add.f32.msk vm2, v18  }
0x17e: {  	vm2 =	vmor vm12, vm0;
	v16 =	vld.idx.msk [tilespmem:v28+s6+$0x0], $0xffff;
	v28, _, _ =	vpop (xrf2)  }
0x17f: {  	[tilespmem:v12+s23+$0x0] =	vst.idx.add.f32.msk vm9, v28;
	v12 =	vsub.f32 $0.0e+00, v28  }
0x180: {  	vm7 =	vmand vm7, vm1;
	[tilespmem:v9+s23+$0x0] =	vst.idx.add.f32.msk vm11, v32  }
0x181: {  	[tilespmem:v30+s23+$0x0] =	vst.idx.add.f32.msk vm6, v12;
	vm6 =	vmand vm10, vm1  }
0x182: {  	v12 =	vsub.f32 $0.0e+00, v18;
	v9 =	vld.idx.msk [tilespmem:v13+s6+$0x0], $0xffff  }
0x183: {  	v13 =	vsub.f32 $0.0e+00, v32;
	[tilespmem:v23+s23+$0x0] =	vst.idx.add.f32.msk vm8, v19;
	v18, _, _ =	vpop (xrf2)  }
0x184: {  	[tilespmem:v8+s23+$0x0] =	vst.idx.add.f32.msk vm2, v18;
	vm2 =	vmand vm3, vm1  }
0x185: {  	vm3 =	vmor vm4, vm0;
	v8 =	vld.idx.msk [tilespmem:v31+s6+$0x0], $0xffff  }
0x186: {  	vm8 =	vmand vm12, vm1;
	vm4 =	vmand vm4, vm1;
	[tilespmem:v25+s23+$0x0] =	vst.idx.add.f32.msk vm7, v12  }
0x187: {  	[tilespmem:v17+s23+$0x0] =	vst.idx.add.f32.msk vm6, v13  }
0x188: {  	v12 =	vld [tilespmem:s8+$0x30]  }
0x189: {  	v17 =	vsub.f32 $0.0e+00, v18;
	[tilespmem:v6+s23+$0x0] =	vst.idx.add.f32.msk vm5, v24  }
0x18a: {  	v6 =	vsub.f32 $0.0e+00, v36;
	[tilespmem:v4+s23+$0x0] =	vst.idx.add.f32.msk vm2, v14  }
0x18b: {  	v4 =	vmul.f32 v8, v27;
	[tilespmem:v5+s23+$0x0] =	vst.idx.add.f32.msk vm3, v36  }
0x18c: {  	v18 =	vmul.f32 v16, v20;
	[tilespmem:v7+s23+$0x0] =	vst.idx.add.f32.msk vm4, v6  }
0x18d: {  	v13 =	vmul.f32 v15, v22;
	[tilespmem:v35+s23+$0x0] =	vst.idx.add.f32.msk vm8, v17  }
0x18e: {  	v6 =	vld.idx.msk [tilespmem:v29+s6+$0x0], $0xffff;
	(xrf2) =	vadd.scan.msk.f32 $0xffff, v4  }
0x18f: {  	v7 =	vld.idx.msk [tilespmem:v34+s6+$0x0], $0xffff  }
0x190: {  	v8 =	vmul.f32 v9, v26;
	v4 =	vperm.xlane v10, v2;
	v12 =	vld.idx.msk [tilespmem:v12+s6+$0x0], $0xffff  }
0x191: {  	v15 =	vld [tilespmem:s9+$0x0]  }
0x192: {  	vm3 =	vne.s32 v10, v4;
	v19 =	vld [tilespmem:s11+$0xFFFFFFF0]  }
0x193: {  	vm2 =	vmor vm3, vm0;
	v22 =	vld [tilespmem:s8+$0xFFFFFFF0]  }
0x194: {  	v21 =	vmul.f32 v6, v21;
	v5 =	vld [tilespmem:s9+$0xFFFFFFD0];
	(xrf2) =	vadd.scan.msk.f32 $0xffff, v8  }
0x195: {  	v7 =	vmul.f32 v7, v33;
	v8 =	vld [tilespmem:s9+$0xFFFFFFC0]  }
0x196: {  	v20 =	vmul.f32 v12, v11;
	v6 =	vperm.xlane v15, v2;
	v9 =	vld [tilespmem:s9+$0x30]  }
.Ltmp11:
0x197: {  	v12 =	vld [tilespmem:s9+$0xFFFFFFF0];
	(xrf2) =	vadd.scan.msk.f32 $0xffff, v7;
	(pc) =	sbr.rel @p2 .LBB2_9-.Ltmp11, $4  }
0x198: {  	vm5 =	vne.s32 v15, v6;
	v17 =	vld [tilespmem:s9+$0x10];
	v14, _, _ =	vpop (xrf2)  }
0x199: {  	v7 =	vperm.xlane v5, v2;
	[tilespmem:v10+s23+$0x0] =	vst.idx.add.f32.msk vm2, v14;
	vm6 =	vmor vm5, vm0  }
0x19a: {  	v16 =	vld [tilespmem:s9+$0x20];
	(xrf2) =	vadd.scan.msk.f32 $0xffff, v21  }
0x19b: {  	s11 =	sadd.s32 $0x80, s11;
	vm4 =	vne.s32 v5, v7;
	v21 =	vld.idx.msk [tilespmem:v22+s6+$0x0], $0xffff  }
0x19c: {  	_ =	sdelay $0x2  }
0x19d: {  	(xrf2) =	vadd.scan.msk.f32 $0xffff, v20  }
0x19e: {  	v11 =	vperm.xlane v17, v2;
	v10 =	vmul.f32 v21, v19  }
0x19f: {  	v49 =	vperm.xlane v9, v2;
	vm5 =	vmand vm5, vm1;
	(xrf2) =	vadd.scan.msk.f32 $0xffff, v18  }
0x1a0: {  	vm3 =	vmand vm3, vm1;
	vm2 =	vne.s32 v17, v11;
	(xrf2) =	vadd.scan.msk.f32 $0xffff, v10  }
0x1a1: {  	vm12 =	vne.s32 v9, v49;
	v47 =	vperm.xlane v16, v2;
	vm7 =	vmor vm2, vm0;
	(xrf2) =	vadd.scan.msk.f32 $0xffff, v13  }
0x1a2: {  	v52 =	vperm.xlane v8, v2;
	v50, _, _ =	vpop (xrf2);
	vm13 =	vmor vm12, vm0  }
0x1a3: {  	v61 =	vsub.f32 $0.0e+00, v50;
	vm2 =	vmand vm2, vm1;
	vm8 =	vne.s32 v16, v47  }
0x1a4: {  	v62 =	vsub.f32 $0.0e+00, v14;
	[tilespmem:v15+s23+$0x0] =	vst.idx.add.f32.msk vm6, v50;
	vm9 =	vmor vm8, vm0  }
0x1a5: {  	v48 =	vperm.xlane v12, v2;
	vm6 =	vne.s32 v8, v52;
	v51, _, _ =	vpop (xrf2);
	vm8 =	vmand vm8, vm1;
	[tilespmem:v6+s23+$0x0] =	vst.idx.add.f32.msk vm5, v61  }
0x1a6: {  	vm15 =	vmor vm6, vm0;
	[tilespmem:v4+s23+$0x0] =	vst.idx.add.f32.msk vm3, v62;
	v22, _, _ =	vpop (xrf2)  }
0x1a7: {  	vm10 =	vne.s32 v12, v48;
	vm14 =	vmand vm12, vm1;
	v57 =	vsub.f32 $0.0e+00, v22;
	v53, _, _ =	vpop (xrf2);
	[tilespmem:v17+s23+$0x0] =	vst.idx.add.f32.msk vm7, v22  }
0x1a8: {  	vm11 =	vmor vm10, vm0;
	[tilespmem:v9+s23+$0x0] =	vst.idx.add.f32.msk vm13, v53  }
0x1a9: {  	v58 =	vsub.f32 $0.0e+00, v51;
	v54, _, _ =	vpop (xrf2);
	[tilespmem:v11+s23+$0x0] =	vst.idx.add.f32.msk vm2, v57;
	vm2 =	vmor vm4, vm0  }
0x1aa: {  	vm10 =	vmand vm10, vm1;
	[tilespmem:v16+s23+$0x0] =	vst.idx.add.f32.msk vm9, v51;
	v55, _, _ =	vpop (xrf2)  }
0x1ab: {  	vm6 =	vmand vm6, vm1;
	v60 =	vsub.f32 $0.0e+00, v53;
	[tilespmem:v47+s23+$0x0] =	vst.idx.add.f32.msk vm8, v58;
	v59, _, _ =	vpop (xrf2)  }
0x1ac: {  	[tilespmem:v8+s23+$0x0] =	vst.idx.add.f32.msk vm15, v59;
	vm15 =	vmand vm4, vm1  }
0x1ad: {  	[tilespmem:v49+s23+$0x0] =	vst.idx.add.f32.msk vm14, v60  }
.Ltmp12:
0x1ae: {  	[tilespmem:v12+s23+$0x0] =	vst.idx.add.f32.msk vm11, v55;
	v56 =	vsub.f32 $0.0e+00, v55;
	(pc) =	sbr.rel .LBB2_11-.Ltmp12, $4  }
0x1af: {  	[tilespmem:v5+s23+$0x0] =	vst.idx.add.f32.msk vm2, v54;
	v4 =	vsub.f32 $0.0e+00, v59  }
0x1b0: {  	v63 =	vsub.f32 $0.0e+00, v54;
	[tilespmem:v48+s23+$0x0] =	vst.idx.add.f32.msk vm10, v56  }
0x1b1: {  	[tilespmem:v52+s23+$0x0] =	vst.idx.add.f32.msk vm6, v4  }
0x1b2: {  	[tilespmem:v7+s23+$0x0] =	vst.idx.add.f32.msk vm15, v63  }
.LBB2_17:
0x1b3: {  	_ =	sfence.sel $0x180000  }
0x1b4: {  	[bflag:$0x0] =	sbarrier.arrive $0xFFFF  }
0x1b5: {  	_ =	strace $0x90000047  }
0x1b6: {  	s0 =	stileid.u32;
	[bflag:$0x2] =	sbarrier.arrive $0xFFFF  }
0x1b7: {  	p0 =	sne.s32 s0, $0x0;
	s0 =	rddreg [dreg:$0x5]  }
0x1b8: {  	s0 =	sadd.s32 @!p0 $0x100000, s0  }
0x1b9: {  	[sflag:s0] =	ssyncadd.tile.s32 @!p0 $0x1;
	_ =	shalt  }
.Lfunc_end2:
_tile_overlayer_lowered:
.L_overlay_start_2:
0x1ba: {  	(tag) =	ssettag $0x2  }
0x1bb: {  	s0 =	rddreg [dreg:$0x0];
	s2 =	stileid.u32  }
0x1bc: {  	s1 =	rddreg [dreg:$0x1];
	p0 =	sne.s32 s2, $0x0  }
0x1bd: {  	s3 =	rddreg [dreg:$0x2];
	[bflag:$0x3] =	sbarrier.arrive $0xFFFF;
	s2 =	simm.s32 @!p0 $0x1C05  }
0x1be: {  	[timem:s3], [sflag:s2] =	dma.local @!p0 [hbm:s0], s1  }
0x1bf: {  	s0 =	simm.s32 @!p0 $0x5  }
0x1c0: {  	_ =	swait.ge @!p0 [sflag:s0], s1  }
0x1c1: {  	s1 =	ssub.s32 @!p0 $0x0, s1;
	[sflag:s0] =	ssyncset.done @!p0 $0x0  }
0x1c2: {  	[sflag:s0] =	ssyncadd.s32 @!p0 s1  }
0x1c3: {  	[bflag:$0x3] =	sbarrier.arrive $0xFFFF  }
0x1c4: {  	_ =	shalt  }

</sc_bundles>
